<compile_context>
chip_gen: v7x
topology: tpu7x:2x2x1
jax: 0.10.2.dev20260603
libtpu: 0.0.44.dev20260713+nightly
codegen_flags: <defaults>
</compile_context>

<pallas_src>
import jax
import jax.numpy as jnp
from jax import lax
from jax.experimental import pallas as pl
from jax.experimental.pallas import tpu as pltpu
from jax.experimental.pallas import tpu_sc as plsc

B = 16384
N = 1000
M = 200
LANES = 16
NFULL = (N // LANES) * LANES
MFULL = (M // LANES) * LANES

NC = 2
NS = 16
NW = NC * NS
ROWS_PER_W = B // NW
R = 32
G = ROWS_PER_W // R

SCALE = 1.0 / ((N - M) / N)

NBUF = 3
PRIME = 2


def _body(inp_hbm, idx_hbm, out_hbm, row_v, idx_v,
          sem_row, sem_idx, sem_out):
    wid = lax.axis_index("s") * NC + lax.axis_index("c")
    tile_base = wid * ROWS_PER_W

    scale = jnp.full((LANES,), SCALE, jnp.float32)
    zero = jnp.zeros((LANES,), jnp.float32)
    zero_i = jnp.zeros((LANES,), jnp.int32)
    iota = lax.iota(jnp.int32, LANES)
    scale_tail_mask = iota >= (LANES - (N - NFULL))
    tail_cols = (N - LANES) + iota

    def slices(g):
        b = g % NBUF
        rowbase = tile_base + g * R
        return (
            inp_hbm.at[pl.ds(rowbase, R)],
            idx_hbm.at[pl.ds(rowbase, R)],
            out_hbm.at[pl.ds(rowbase, R)],
            row_v.at[pl.ds(b * R, R)],
            idx_v.at[pl.ds(b * R, R)],
            sem_row.at[b],
            sem_idx.at[b],
            sem_out.at[b],
        )

    def start_in(g):
        inp_s, idxh_s, _, row_s, idxv_s, s_r, s_i, _ = slices(g)
        pltpu.async_copy(inp_s, row_s, s_r)
        pltpu.async_copy(idxh_s, idxv_s, s_i)

    def wait_in(g):
        inp_s, idxh_s, _, row_s, idxv_s, s_r, s_i, _ = slices(g)
        pltpu.make_async_copy(inp_s, row_s, s_r).wait()
        pltpu.make_async_copy(idxh_s, idxv_s, s_i).wait()

    def start_out(g):
        _, _, out_s, row_s, _, _, _, s_o = slices(g)
        pltpu.async_copy(row_s, out_s, s_o)

    def wait_out(g):
        _, _, out_s, row_s, _, _, _, s_o = slices(g)
        pltpu.make_async_copy(row_s, out_s, s_o).wait()

    def compute(g):
        b = g % NBUF
        rbase = b * R

        @plsc.parallel_loop(0, R, step=1, unroll=1)
        def row_body(r):
            rr = rbase + r
            rr_vec = zero_i + rr
            tv = row_v[rr, pl.ds(N - LANES, LANES)]
            plsc.store_scatter(row_v, [rr_vec, tail_cols], tv * scale,
                               mask=scale_tail_mask)
            for c in range(NFULL // LANES):
                o = c * LANES
                row_v[rr, pl.ds(o, LANES)] = (
                    row_v[rr, pl.ds(o, LANES)] * scale)
            for j in range(MFULL // LANES):
                idx = idx_v[rr, pl.ds(j * LANES, LANES)]
                plsc.store_scatter(row_v, [rr_vec, idx], zero)
            idxt = idx_v[rr, pl.ds(M - LANES, LANES)]
            plsc.store_scatter(row_v, [rr_vec, idxt], zero)

    for g in range(PRIME):
        start_in(g)

    def gbody(g, carry):
        @pl.when(g + PRIME < G)
        def _prefetch():
            @pl.when(g + PRIME - NBUF >= 0)
            def _free_buf():
                wait_out(g + PRIME - NBUF)
            start_in(g + PRIME)

        wait_in(g)
        compute(g)
        start_out(g)
        return carry

    lax.fori_loop(0, G, gbody, 0)

    for g in range(G - NBUF, G):
        wait_out(g)


@jax.jit
def _run(inputs, mask_inds):
    mesh = plsc.VectorSubcoreMesh(core_axis_name="c", subcore_axis_name="s")
    return pl.kernel(
        _body,
        mesh=mesh,
        compiler_params=pltpu.CompilerParams(needs_layout_passes=False),
        out_type=jax.ShapeDtypeStruct((B, N), jnp.float32),
        scratch_types=[
            pltpu.VMEM((NBUF * R, N), jnp.float32),
            pltpu.VMEM((NBUF * R, M), jnp.int32),
            pltpu.SemaphoreType.DMA((NBUF,)),
            pltpu.SemaphoreType.DMA((NBUF,)),
            pltpu.SemaphoreType.DMA((NBUF,)),
        ],
    )(inputs, mask_inds)


def kernel(inputs, mask_inds):
    return _run(inputs, mask_inds.astype(jnp.int32))

# --- scband reference (transcript-rebuilt; emitter-appended) ---
"""Pipeline reference for scband-custom-dropout-12661563589048 (READ-ONLY COPY).

The authoritative reference and input builder live on the scoring server;
editing this copy changes nothing except your own understanding.
"""

import jax, jax.numpy as jnp
import numpy as np


def setup_inputs(seed: int = 0) -> dict:
    key = jax.random.key(seed)
    k1, k2 = jax.random.split(key)
    inputs = jax.random.normal(k1, (16384, 1000), dtype=jnp.float32)
    mask_inds = jax.random.randint(k2, (16384, 200), 0, 1000)
    return {"inputs": inputs, "mask_inds": mask_inds}


def reference(inputs, mask_inds):
    # Faithful translation of CustomDropout.call in training mode.
    B = inputs.shape[0]
    N = inputs.shape[1]
    M = mask_inds.shape[1]
    # base_inds = tile(range(B)[:, None], (1, M))
    base_inds = jnp.tile(jnp.arange(B)[:, None], (1, M))
    # tf.scatter_nd(stack([base_inds, mask_inds], -1), ones_like(mask_inds), shape(inputs))
    # scatter_nd accumulates duplicates (add), so use .at[...].add
    ones_upd = jnp.ones_like(mask_inds, dtype=jnp.int32)
    scat = jnp.zeros((B, N), dtype=jnp.int32).at[base_inds, mask_inds].add(ones_upd)
    # mask = cast(equal(scat, 0), float32)
    mask = (scat == 0).astype(jnp.float32)
    # keep_prob = (N - M) / N ; scale = 1 / keep_prob
    keep_prob = (N - M) / N
    scale = 1.0 / keep_prob
    ret = inputs * jnp.float32(scale) * mask[:B, :N]
    return ret

if __name__ == "__main__":
    import jax
    _d = setup_inputs()
    print(jax.jit(kernel)(*tuple(_d.values())))

</pallas_src>

<mosaic_0001>
#map = affine_map<(d0, d1) -> (0, 0)>
module attributes {stable_mosaic.version = 14 : i64} {
  func.func @_body(%arg0: i32, %arg1: i32, %arg2: memref<16384x1000xf32, #tpu.memory_space<hbm>>, %arg3: memref<16384x200xi32, #tpu.memory_space<hbm>>, %arg4: memref<16384x1000xf32, #tpu.memory_space<hbm>>, %arg5: memref<96x1000xf32, #tpu.memory_space<vmem>>, %arg6: memref<96x200xi32, #tpu.memory_space<vmem>>, %arg7: memref<3x!tpu.dma_semaphore, #tpu.memory_space<semaphore_mem>>, %arg8: memref<3x!tpu.dma_semaphore, #tpu.memory_space<semaphore_mem>>, %arg9: memref<3x!tpu.dma_semaphore, #tpu.memory_space<semaphore_mem>>) attributes {dimension_semantics = [#tpu.dimension_semantics<core_parallel>, #tpu.dimension_semantics<subcore_parallel>], iteration_bounds = array<i64: 2, 16>, scalar_prefetch = 0 : i64, scratch_operands = 5 : i64, tpu.core_type = #tpu.core_type<sc_vector_subcore>, window_params = [{transform_indices = #map}, {transform_indices = #map}, {transform_indices = #map}]} {
    %mul3A = arith.constant 2 : i32
    %mul3A_0 = arith.muli %arg1, %mul3A : i32
    %add3A = arith.addi %mul3A_0, %arg0 : i32
    %mul3A_1 = arith.constant 512 : i32
    %mul3A_2 = arith.muli %add3A, %mul3A_1 : i32
    %broadcast_in_dim3A = arith.constant 1.250000e+00 : f32
    %broadcast_in_dim3A_3 = vector.broadcast %broadcast_in_dim3A : f32 to vector<16xf32>
    %broadcast_in_dim3A_4 = arith.constant 0.000000e+00 : f32
    %broadcast_in_dim3A_5 = vector.broadcast %broadcast_in_dim3A_4 : f32 to vector<16xf32>
    %broadcast_in_dim3A_6 = arith.constant 0 : i32
    %broadcast_in_dim3A_7 = vector.broadcast %broadcast_in_dim3A_6 : i32 to vector<16xi32>
    %iota3A = tpu.iota {dimensions = array<i32: 0>} : vector<16xi32>
    %ge3A = arith.constant 8 : i32
    %ge3A_8 = vector.broadcast %ge3A : i32 to vector<16xi32>
    %ge3A_9 = arith.cmpi sge, %iota3A, %ge3A_8 : vector<16xi32>
    %add3A_10 = arith.constant 984 : i32
    %add3A_11 = vector.broadcast %add3A_10 : i32 to vector<16xi32>
    %add3A_12 = arith.addi %add3A_11, %iota3A : vector<16xi32>
    %add3A_13 = arith.constant 0 : i32
    %add3A_14 = arith.addi %mul3A_2, %add3A_13 : i32
    %dma_start3A = arith.constant 0 : i32
    %dma_start3A_15 = arith.constant 0 : i32
    %dma_start3A_16 = arith.constant 0 : i32
    %dma_start3A_17 = tpu.memref_slice %arg5[%dma_start3A_15, %dma_start3A_16] : memref<96x1000xf32, #tpu.memory_space<vmem>> -> memref<32x1000xf32, #tpu.memory_space<vmem>>
    %dma_start3A_18 = arith.constant 0 : i32
    %dma_start3A_19 = tpu.memref_slice %arg2[%add3A_14, %dma_start3A_18] : memref<16384x1000xf32, #tpu.memory_space<hbm>> -> memref<32x1000xf32, #tpu.memory_space<hbm>>
    %dma_start3A_20 = tpu.memref_slice %arg7[%dma_start3A] : memref<3x!tpu.dma_semaphore, #tpu.memory_space<semaphore_mem>> -> memref<1x!tpu.dma_semaphore, #tpu.memory_space<semaphore_mem>>
    %dma_start3A_21 = tpu.memref_squeeze %dma_start3A_20 : memref<1x!tpu.dma_semaphore, #tpu.memory_space<semaphore_mem>> -> memref<!tpu.dma_semaphore, #tpu.memory_space<semaphore_mem>>
    %dma_start3A_22 = arith.constant 0 : i32
    %dma_start3A_23 = arith.constant 0 : i32
    %dma_start3A_24 = tpu.memref_slice %arg5[%dma_start3A_22, %dma_start3A_23] : memref<96x1000xf32, #tpu.memory_space<vmem>> -> memref<32x1000xf32, #tpu.memory_space<vmem>>
    %dma_start3A_25 = arith.constant 0 : i32
    %dma_start3A_26 = tpu.memref_slice %arg2[%add3A_14, %dma_start3A_25] : memref<16384x1000xf32, #tpu.memory_space<hbm>> -> memref<32x1000xf32, #tpu.memory_space<hbm>>
    tpu.enqueue_dma source(%dma_start3A_26 : memref<32x1000xf32, #tpu.memory_space<hbm>>) target(%dma_start3A_24 : memref<32x1000xf32, #tpu.memory_space<vmem>>) target_semaphore(%dma_start3A_21 : memref<!tpu.dma_semaphore, #tpu.memory_space<semaphore_mem>>)
    %dma_start3A_27 = arith.constant 0 : i32
    %dma_start3A_28 = arith.constant 0 : i32
    %dma_start3A_29 = arith.constant 0 : i32
    %dma_start3A_30 = tpu.memref_slice %arg6[%dma_start3A_28, %dma_start3A_29] : memref<96x200xi32, #tpu.memory_space<vmem>> -> memref<32x200xi32, #tpu.memory_space<vmem>>
    %dma_start3A_31 = arith.constant 0 : i32
    %dma_start3A_32 = tpu.memref_slice %arg3[%add3A_14, %dma_start3A_31] : memref<16384x200xi32, #tpu.memory_space<hbm>> -> memref<32x200xi32, #tpu.memory_space<hbm>>
    %dma_start3A_33 = tpu.memref_slice %arg8[%dma_start3A_27] : memref<3x!tpu.dma_semaphore, #tpu.memory_space<semaphore_mem>> -> memref<1x!tpu.dma_semaphore, #tpu.memory_space<semaphore_mem>>
    %dma_start3A_34 = tpu.memref_squeeze %dma_start3A_33 : memref<1x!tpu.dma_semaphore, #tpu.memory_space<semaphore_mem>> -> memref<!tpu.dma_semaphore, #tpu.memory_space<semaphore_mem>>
    %dma_start3A_35 = arith.constant 0 : i32
    %dma_start3A_36 = arith.constant 0 : i32
    %dma_start3A_37 = tpu.memref_slice %arg6[%dma_start3A_35, %dma_start3A_36] : memref<96x200xi32, #tpu.memory_space<vmem>> -> memref<32x200xi32, #tpu.memory_space<vmem>>
    %dma_start3A_38 = arith.constant 0 : i32
    %dma_start3A_39 = tpu.memref_slice %arg3[%add3A_14, %dma_start3A_38] : memref<16384x200xi32, #tpu.memory_space<hbm>> -> memref<32x200xi32, #tpu.memory_space<hbm>>
    tpu.enqueue_dma source(%dma_start3A_39 : memref<32x200xi32, #tpu.memory_space<hbm>>) target(%dma_start3A_37 : memref<32x200xi32, #tpu.memory_space<vmem>>) target_semaphore(%dma_start3A_34 : memref<!tpu.dma_semaphore, #tpu.memory_space<semaphore_mem>>)
    %add3A_40 = arith.constant 32 : i32
    %add3A_41 = arith.addi %mul3A_2, %add3A_40 : i32
    %dma_start3A_42 = arith.constant 1 : i32
    %dma_start3A_43 = arith.constant 32 : i32
    %dma_start3A_44 = arith.constant 0 : i32
    %dma_start3A_45 = tpu.memref_slice %arg5[%dma_start3A_43, %dma_start3A_44] : memref<96x1000xf32, #tpu.memory_space<vmem>> -> memref<32x1000xf32, #tpu.memory_space<vmem>>
    %dma_start3A_46 = arith.constant 0 : i32
    %dma_start3A_47 = tpu.memref_slice %arg2[%add3A_41, %dma_start3A_46] : memref<16384x1000xf32, #tpu.memory_space<hbm>> -> memref<32x1000xf32, #tpu.memory_space<hbm>>
    %dma_start3A_48 = tpu.memref_slice %arg7[%dma_start3A_42] : memref<3x!tpu.dma_semaphore, #tpu.memory_space<semaphore_mem>> -> memref<1x!tpu.dma_semaphore, #tpu.memory_space<semaphore_mem>>
    %dma_start3A_49 = tpu.memref_squeeze %dma_start3A_48 : memref<1x!tpu.dma_semaphore, #tpu.memory_space<semaphore_mem>> -> memref<!tpu.dma_semaphore, #tpu.memory_space<semaphore_mem>>
    %dma_start3A_50 = arith.constant 32 : i32
    %dma_start3A_51 = arith.constant 0 : i32
    %dma_start3A_52 = tpu.memref_slice %arg5[%dma_start3A_50, %dma_start3A_51] : memref<96x1000xf32, #tpu.memory_space<vmem>> -> memref<32x1000xf32, #tpu.memory_space<vmem>>
    %dma_start3A_53 = arith.constant 0 : i32
    %dma_start3A_54 = tpu.memref_slice %arg2[%add3A_41, %dma_start3A_53] : memref<16384x1000xf32, #tpu.memory_space<hbm>> -> memref<32x1000xf32, #tpu.memory_space<hbm>>
    tpu.enqueue_dma source(%dma_start3A_54 : memref<32x1000xf32, #tpu.memory_space<hbm>>) target(%dma_start3A_52 : memref<32x1000xf32, #tpu.memory_space<vmem>>) target_semaphore(%dma_start3A_49 : memref<!tpu.dma_semaphore, #tpu.memory_space<semaphore_mem>>)
    %dma_start3A_55 = arith.constant 1 : i32
    %dma_start3A_56 = arith.constant 32 : i32
    %dma_start3A_57 = arith.constant 0 : i32
    %dma_start3A_58 = tpu.memref_slice %arg6[%dma_start3A_56, %dma_start3A_57] : memref<96x200xi32, #tpu.memory_space<vmem>> -> memref<32x200xi32, #tpu.memory_space<vmem>>
    %dma_start3A_59 = arith.constant 0 : i32
    %dma_start3A_60 = tpu.memref_slice %arg3[%add3A_41, %dma_start3A_59] : memref<16384x200xi32, #tpu.memory_space<hbm>> -> memref<32x200xi32, #tpu.memory_space<hbm>>
    %dma_start3A_61 = tpu.memref_slice %arg8[%dma_start3A_55] : memref<3x!tpu.dma_semaphore, #tpu.memory_space<semaphore_mem>> -> memref<1x!tpu.dma_semaphore, #tpu.memory_space<semaphore_mem>>
    %dma_start3A_62 = tpu.memref_squeeze %dma_start3A_61 : memref<1x!tpu.dma_semaphore, #tpu.memory_space<semaphore_mem>> -> memref<!tpu.dma_semaphore, #tpu.memory_space<semaphore_mem>>
    %dma_start3A_63 = arith.constant 32 : i32
    %dma_start3A_64 = arith.constant 0 : i32
    %dma_start3A_65 = tpu.memref_slice %arg6[%dma_start3A_63, %dma_start3A_64] : memref<96x200xi32, #tpu.memory_space<vmem>> -> memref<32x200xi32, #tpu.memory_space<vmem>>
    %dma_start3A_66 = arith.constant 0 : i32
    %dma_start3A_67 = tpu.memref_slice %arg3[%add3A_41, %dma_start3A_66] : memref<16384x200xi32, #tpu.memory_space<hbm>> -> memref<32x200xi32, #tpu.memory_space<hbm>>
    tpu.enqueue_dma source(%dma_start3A_67 : memref<32x200xi32, #tpu.memory_space<hbm>>) target(%dma_start3A_65 : memref<32x200xi32, #tpu.memory_space<vmem>>) target_semaphore(%dma_start3A_62 : memref<!tpu.dma_semaphore, #tpu.memory_space<semaphore_mem>>)
    %scan3A = arith.constant 0 : i32
    %scan3A_68 = arith.constant 0 : i32
    %scan3A_69 = arith.constant 16 : i32
    %scan3A_70 = arith.addi %scan3A_68, %scan3A_69 : i32
    %scan3A_71 = arith.constant 1 : i32
    scf.for %scan3A_117 = %scan3A_68 to %scan3A_70 step %scan3A_71  : i32 {
      %add3A_118 = arith.constant 2 : i32
      %add3A_119 = arith.addi %scan3A_117, %add3A_118 : i32
      %lt3A = arith.constant 16 : i32
      %lt3A_120 = arith.cmpi slt, %add3A_119, %lt3A : i32
      %convert_element_type3A = arith.extui %lt3A_120 : i1 to i32
      %cond3A = arith.constant 0 : i32
      %cond3A_121 = arith.cmpi ne, %convert_element_type3A, %cond3A : i32
      scf.if %cond3A_121 {
        %add3A_212 = arith.constant 2 : i32
        %add3A_213 = arith.addi %scan3A_117, %add3A_212 : i32
        %sub3A = arith.constant 3 : i32
        %sub3A_214 = arith.subi %add3A_213, %sub3A : i32
        %ge3A_215 = arith.constant 0 : i32
        %ge3A_216 = arith.cmpi sge, %sub3A_214, %ge3A_215 : i32
        %convert_element_type3A_217 = arith.extui %ge3A_216 : i1 to i32
        %cond3A_218 = arith.constant 0 : i32
        %cond3A_219 = arith.cmpi ne, %convert_element_type3A_217, %cond3A_218 : i32
        scf.if %cond3A_219 {
          %add3A_265 = arith.constant 2 : i32
          %add3A_266 = arith.addi %scan3A_117, %add3A_265 : i32
          %sub3A_267 = arith.constant 3 : i32
          %sub3A_268 = arith.subi %add3A_266, %sub3A_267 : i32
          %jit3A_269 = arith.constant 3 : i32
          %eq3A_270 = arith.constant 0 : i32
          %eq3A_271 = arith.cmpi eq, %jit3A_269, %eq3A_270 : i32
          %jit3A_272 = arith.constant 1 : i32
          %select_n3A_273 = arith.select %eq3A_271, %jit3A_272, %jit3A_269 : i32
          %rem3A_274 = arith.remsi %sub3A_268, %select_n3A_273 : i32
          %ne3A_275 = arith.constant 0 : i32
          %ne3A_276 = arith.cmpi ne, %rem3A_274, %ne3A_275 : i32
          %lt3A_277 = arith.constant 0 : i32
          %lt3A_278 = arith.cmpi slt, %rem3A_274, %lt3A_277 : i32
          %lt3A_279 = arith.constant 0 : i32
          %lt3A_280 = arith.cmpi slt, %select_n3A_273, %lt3A_279 : i32
          %ne3A_281 = arith.xori %lt3A_278, %lt3A_280 : i1
          %and3A_282 = arith.andi %ne3A_281, %ne3A_276 : i1
          %add3A_283 = arith.addi %rem3A_274, %select_n3A_273 : i32
          %select_n3A_284 = arith.select %and3A_282, %add3A_283, %rem3A_274 : i32
          %mul3A_285 = arith.constant 32 : i32
          %mul3A_286 = arith.muli %sub3A_268, %mul3A_285 : i32
          %add3A_287 = arith.addi %mul3A_2, %mul3A_286 : i32
          %mul3A_288 = arith.constant 32 : i32
          %mul3A_289 = arith.muli %select_n3A_284, %mul3A_288 : i32
          %mul3A_290 = arith.constant 32 : i32
          %mul3A_291 = arith.muli %select_n3A_284, %mul3A_290 : i32
          %dma_wait3A_292 = arith.constant 0 : i32
          %dma_wait3A_293 = tpu.memref_slice %arg5[%mul3A_289, %dma_wait3A_292] : memref<96x1000xf32, #tpu.memory_space<vmem>> -> memref<32x1000xf32, #tpu.memory_space<vmem>>
          %dma_wait3A_294 = arith.constant 0 : i32
          %dma_wait3A_295 = tpu.memref_slice %arg4[%add3A_287, %dma_wait3A_294] : memref<16384x1000xf32, #tpu.memory_space<hbm>> -> memref<32x1000xf32, #tpu.memory_space<hbm>>
          %dma_wait3A_296 = tpu.memref_slice %arg9[%select_n3A_284] : memref<3x!tpu.dma_semaphore, #tpu.memory_space<semaphore_mem>> -> memref<1x!tpu.dma_semaphore, #tpu.memory_space<semaphore_mem>>
          %dma_wait3A_297 = tpu.memref_squeeze %dma_wait3A_296 : memref<1x!tpu.dma_semaphore, #tpu.memory_space<semaphore_mem>> -> memref<!tpu.dma_semaphore, #tpu.memory_space<semaphore_mem>>
          %dma_wait3A_298 = arith.constant 0 : i32
          %dma_wait3A_299 = tpu.memref_slice %arg4[%add3A_287, %dma_wait3A_298] : memref<16384x1000xf32, #tpu.memory_space<hbm>> -> memref<32x1000xf32, #tpu.memory_space<hbm>>
          %dma_wait3A_300 = arith.constant 0 : i32
          %dma_wait3A_301 = tpu.memref_slice %arg5[%mul3A_289, %dma_wait3A_300] : memref<96x1000xf32, #tpu.memory_space<vmem>> -> memref<32x1000xf32, #tpu.memory_space<vmem>>
          tpu.wait_dma2 semaphore(%dma_wait3A_297 : memref<!tpu.dma_semaphore, #tpu.memory_space<semaphore_mem>>) src(%dma_wait3A_301 : memref<32x1000xf32, #tpu.memory_space<vmem>>) dst(%dma_wait3A_299 : memref<32x1000xf32, #tpu.memory_space<hbm>>)
        } else {
        }
        %add3A_220 = arith.constant 2 : i32
        %add3A_221 = arith.addi %scan3A_117, %add3A_220 : i32
        %jit3A_222 = arith.constant 3 : i32
        %eq3A_223 = arith.constant 0 : i32
        %eq3A_224 = arith.cmpi eq, %jit3A_222, %eq3A_223 : i32
        %jit3A_225 = arith.constant 1 : i32
        %select_n3A_226 = arith.select %eq3A_224, %jit3A_225, %jit3A_222 : i32
        %rem3A_227 = arith.remsi %add3A_221, %select_n3A_226 : i32
        %ne3A_228 = arith.constant 0 : i32
        %ne3A_229 = arith.cmpi ne, %rem3A_227, %ne3A_228 : i32
        %lt3A_230 = arith.constant 0 : i32
        %lt3A_231 = arith.cmpi slt, %rem3A_227, %lt3A_230 : i32
        %lt3A_232 = arith.constant 0 : i32
        %lt3A_233 = arith.cmpi slt, %select_n3A_226, %lt3A_232 : i32
        %ne3A_234 = arith.xori %lt3A_231, %lt3A_233 : i1
        %and3A_235 = arith.andi %ne3A_234, %ne3A_229 : i1
        %add3A_236 = arith.addi %rem3A_227, %select_n3A_226 : i32
        %select_n3A_237 = arith.select %and3A_235, %add3A_236, %rem3A_227 : i32
        %mul3A_238 = arith.constant 32 : i32
        %mul3A_239 = arith.muli %add3A_221, %mul3A_238 : i32
        %add3A_240 = arith.addi %mul3A_2, %mul3A_239 : i32
        %mul3A_241 = arith.constant 32 : i32
        %mul3A_242 = arith.muli %select_n3A_237, %mul3A_241 : i32
        %mul3A_243 = arith.constant 32 : i32
        %mul3A_244 = arith.muli %select_n3A_237, %mul3A_243 : i32
        %dma_start3A_245 = arith.constant 0 : i32
        %dma_start3A_246 = tpu.memref_slice %arg5[%mul3A_242, %dma_start3A_245] : memref<96x1000xf32, #tpu.memory_space<vmem>> -> memref<32x1000xf32, #tpu.memory_space<vmem>>
        %dma_start3A_247 = arith.constant 0 : i32
        %dma_start3A_248 = tpu.memref_slice %arg2[%add3A_240, %dma_start3A_247] : memref<16384x1000xf32, #tpu.memory_space<hbm>> -> memref<32x1000xf32, #tpu.memory_space<hbm>>
        %dma_start3A_249 = tpu.memref_slice %arg7[%select_n3A_237] : memref<3x!tpu.dma_semaphore, #tpu.memory_space<semaphore_mem>> -> memref<1x!tpu.dma_semaphore, #tpu.memory_space<semaphore_mem>>
        %dma_start3A_250 = tpu.memref_squeeze %dma_start3A_249 : memref<1x!tpu.dma_semaphore, #tpu.memory_space<semaphore_mem>> -> memref<!tpu.dma_semaphore, #tpu.memory_space<semaphore_mem>>
        %dma_start3A_251 = arith.constant 0 : i32
        %dma_start3A_252 = tpu.memref_slice %arg5[%mul3A_242, %dma_start3A_251] : memref<96x1000xf32, #tpu.memory_space<vmem>> -> memref<32x1000xf32, #tpu.memory_space<vmem>>
        %dma_start3A_253 = arith.constant 0 : i32
        %dma_start3A_254 = tpu.memref_slice %arg2[%add3A_240, %dma_start3A_253] : memref<16384x1000xf32, #tpu.memory_space<hbm>> -> memref<32x1000xf32, #tpu.memory_space<hbm>>
        tpu.enqueue_dma source(%dma_start3A_254 : memref<32x1000xf32, #tpu.memory_space<hbm>>) target(%dma_start3A_252 : memref<32x1000xf32, #tpu.memory_space<vmem>>) target_semaphore(%dma_start3A_250 : memref<!tpu.dma_semaphore, #tpu.memory_space<semaphore_mem>>)
        %dma_start3A_255 = arith.constant 0 : i32
        %dma_start3A_256 = tpu.memref_slice %arg6[%mul3A_244, %dma_start3A_255] : memref<96x200xi32, #tpu.memory_space<vmem>> -> memref<32x200xi32, #tpu.memory_space<vmem>>
        %dma_start3A_257 = arith.constant 0 : i32
        %dma_start3A_258 = tpu.memref_slice %arg3[%add3A_240, %dma_start3A_257] : memref<16384x200xi32, #tpu.memory_space<hbm>> -> memref<32x200xi32, #tpu.memory_space<hbm>>
        %dma_start3A_259 = tpu.memref_slice %arg8[%select_n3A_237] : memref<3x!tpu.dma_semaphore, #tpu.memory_space<semaphore_mem>> -> memref<1x!tpu.dma_semaphore, #tpu.memory_space<semaphore_mem>>
        %dma_start3A_260 = tpu.memref_squeeze %dma_start3A_259 : memref<1x!tpu.dma_semaphore, #tpu.memory_space<semaphore_mem>> -> memref<!tpu.dma_semaphore, #tpu.memory_space<semaphore_mem>>
        %dma_start3A_261 = arith.constant 0 : i32
        %dma_start3A_262 = tpu.memref_slice %arg6[%mul3A_244, %dma_start3A_261] : memref<96x200xi32, #tpu.memory_space<vmem>> -> memref<32x200xi32, #tpu.memory_space<vmem>>
        %dma_start3A_263 = arith.constant 0 : i32
        %dma_start3A_264 = tpu.memref_slice %arg3[%add3A_240, %dma_start3A_263] : memref<16384x200xi32, #tpu.memory_space<hbm>> -> memref<32x200xi32, #tpu.memory_space<hbm>>
        tpu.enqueue_dma source(%dma_start3A_264 : memref<32x200xi32, #tpu.memory_space<hbm>>) target(%dma_start3A_262 : memref<32x200xi32, #tpu.memory_space<vmem>>) target_semaphore(%dma_start3A_260 : memref<!tpu.dma_semaphore, #tpu.memory_space<semaphore_mem>>)
      } else {
      }
      %jit3A = arith.constant 3 : i32
      %eq3A = arith.constant 0 : i32
      %eq3A_122 = arith.cmpi eq, %jit3A, %eq3A : i32
      %jit3A_123 = arith.constant 1 : i32
      %select_n3A = arith.select %eq3A_122, %jit3A_123, %jit3A : i32
      %rem3A = arith.remsi %scan3A_117, %select_n3A : i32
      %ne3A = arith.constant 0 : i32
      %ne3A_124 = arith.cmpi ne, %rem3A, %ne3A : i32
      %lt3A_125 = arith.constant 0 : i32
      %lt3A_126 = arith.cmpi slt, %rem3A, %lt3A_125 : i32
      %lt3A_127 = arith.constant 0 : i32
      %lt3A_128 = arith.cmpi slt, %select_n3A, %lt3A_127 : i32
      %ne3A_129 = arith.xori %lt3A_126, %lt3A_128 : i1
      %and3A = arith.andi %ne3A_129, %ne3A_124 : i1
      %add3A_130 = arith.addi %rem3A, %select_n3A : i32
      %select_n3A_131 = arith.select %and3A, %add3A_130, %rem3A : i32
      %mul3A_132 = arith.constant 32 : i32
      %mul3A_133 = arith.muli %scan3A_117, %mul3A_132 : i32
      %add3A_134 = arith.addi %mul3A_2, %mul3A_133 : i32
      %mul3A_135 = arith.constant 32 : i32
      %mul3A_136 = arith.muli %select_n3A_131, %mul3A_135 : i32
      %mul3A_137 = arith.constant 32 : i32
      %mul3A_138 = arith.muli %select_n3A_131, %mul3A_137 : i32
      %dma_wait3A_139 = arith.constant 0 : i32
      %dma_wait3A_140 = tpu.memref_slice %arg5[%mul3A_136, %dma_wait3A_139] : memref<96x1000xf32, #tpu.memory_space<vmem>> -> memref<32x1000xf32, #tpu.memory_space<vmem>>
      %dma_wait3A_141 = arith.constant 0 : i32
      %dma_wait3A_142 = tpu.memref_slice %arg2[%add3A_134, %dma_wait3A_141] : memref<16384x1000xf32, #tpu.memory_space<hbm>> -> memref<32x1000xf32, #tpu.memory_space<hbm>>
      %dma_wait3A_143 = tpu.memref_slice %arg7[%select_n3A_131] : memref<3x!tpu.dma_semaphore, #tpu.memory_space<semaphore_mem>> -> memref<1x!tpu.dma_semaphore, #tpu.memory_space<semaphore_mem>>
      %dma_wait3A_144 = tpu.memref_squeeze %dma_wait3A_143 : memref<1x!tpu.dma_semaphore, #tpu.memory_space<semaphore_mem>> -> memref<!tpu.dma_semaphore, #tpu.memory_space<semaphore_mem>>
      %dma_wait3A_145 = arith.constant 0 : i32
      %dma_wait3A_146 = tpu.memref_slice %arg5[%mul3A_136, %dma_wait3A_145] : memref<96x1000xf32, #tpu.memory_space<vmem>> -> memref<32x1000xf32, #tpu.memory_space<vmem>>
      %dma_wait3A_147 = arith.constant 0 : i32
      %dma_wait3A_148 = tpu.memref_slice %arg2[%add3A_134, %dma_wait3A_147] : memref<16384x1000xf32, #tpu.memory_space<hbm>> -> memref<32x1000xf32, #tpu.memory_space<hbm>>
      tpu.wait_dma2 semaphore(%dma_wait3A_144 : memref<!tpu.dma_semaphore, #tpu.memory_space<semaphore_mem>>) src(%dma_wait3A_148 : memref<32x1000xf32, #tpu.memory_space<hbm>>) dst(%dma_wait3A_146 : memref<32x1000xf32, #tpu.memory_space<vmem>>)
      %dma_wait3A_149 = arith.constant 0 : i32
      %dma_wait3A_150 = tpu.memref_slice %arg6[%mul3A_138, %dma_wait3A_149] : memref<96x200xi32, #tpu.memory_space<vmem>> -> memref<32x200xi32, #tpu.memory_space<vmem>>
      %dma_wait3A_151 = arith.constant 0 : i32
      %dma_wait3A_152 = tpu.memref_slice %arg3[%add3A_134, %dma_wait3A_151] : memref<16384x200xi32, #tpu.memory_space<hbm>> -> memref<32x200xi32, #tpu.memory_space<hbm>>
      %dma_wait3A_153 = tpu.memref_slice %arg8[%select_n3A_131] : memref<3x!tpu.dma_semaphore, #tpu.memory_space<semaphore_mem>> -> memref<1x!tpu.dma_semaphore, #tpu.memory_space<semaphore_mem>>
      %dma_wait3A_154 = tpu.memref_squeeze %dma_wait3A_153 : memref<1x!tpu.dma_semaphore, #tpu.memory_space<semaphore_mem>> -> memref<!tpu.dma_semaphore, #tpu.memory_space<semaphore_mem>>
      %dma_wait3A_155 = arith.constant 0 : i32
      %dma_wait3A_156 = tpu.memref_slice %arg6[%mul3A_138, %dma_wait3A_155] : memref<96x200xi32, #tpu.memory_space<vmem>> -> memref<32x200xi32, #tpu.memory_space<vmem>>
      %dma_wait3A_157 = arith.constant 0 : i32
      %dma_wait3A_158 = tpu.memref_slice %arg3[%add3A_134, %dma_wait3A_157] : memref<16384x200xi32, #tpu.memory_space<hbm>> -> memref<32x200xi32, #tpu.memory_space<hbm>>
      tpu.wait_dma2 semaphore(%dma_wait3A_154 : memref<!tpu.dma_semaphore, #tpu.memory_space<semaphore_mem>>) src(%dma_wait3A_158 : memref<32x200xi32, #tpu.memory_space<hbm>>) dst(%dma_wait3A_156 : memref<32x200xi32, #tpu.memory_space<vmem>>)
      %jit3A_159 = arith.constant 3 : i32
      %eq3A_160 = arith.constant 0 : i32
      %eq3A_161 = arith.cmpi eq, %jit3A_159, %eq3A_160 : i32
      %jit3A_162 = arith.constant 1 : i32
      %select_n3A_163 = arith.select %eq3A_161, %jit3A_162, %jit3A_159 : i32
      %rem3A_164 = arith.remsi %scan3A_117, %select_n3A_163 : i32
      %ne3A_165 = arith.constant 0 : i32
      %ne3A_166 = arith.cmpi ne, %rem3A_164, %ne3A_165 : i32
      %lt3A_167 = arith.constant 0 : i32
      %lt3A_168 = arith.cmpi slt, %rem3A_164, %lt3A_167 : i32
      %lt3A_169 = arith.constant 0 : i32
      %lt3A_170 = arith.cmpi slt, %select_n3A_163, %lt3A_169 : i32
      %ne3A_171 = arith.xori %lt3A_168, %lt3A_170 : i1
      %and3A_172 = arith.andi %ne3A_171, %ne3A_166 : i1
      %add3A_173 = arith.addi %rem3A_164, %select_n3A_163 : i32
      %select_n3A_174 = arith.select %and3A_172, %add3A_173, %rem3A_164 : i32
      %mul3A_175 = arith.constant 32 : i32
      %mul3A_176 = arith.muli %select_n3A_174, %mul3A_175 : i32
      %parallel_loop3A = arith.constant 0 : i32
      %parallel_loop3A_177 = arith.constant 32 : i32
      %parallel_loop3A_178 = arith.constant 1 : i32
      scf.for %parallel_loop3A_212 = %parallel_loop3A to %parallel_loop3A_177 step %parallel_loop3A_178  : i32 {
        %parallel_loop3A_213 = arith.addi %mul3A_176, %parallel_loop3A_212 : i32
        %parallel_loop3A_214 = vector.broadcast %parallel_loop3A_213 : i32 to vector<16xi32>
        %parallel_loop3A_215 = arith.addi %broadcast_in_dim3A_7, %parallel_loop3A_214 : vector<16xi32>
        %parallel_loop3A_216 = arith.index_cast %parallel_loop3A_213 : i32 to index
        %parallel_loop3A_217 = arith.constant 984 : index
        %parallel_loop3A_218 = tpu.vector_load %arg5[%parallel_loop3A_216, %parallel_loop3A_217] {strides = array<i32>} : memref<96x1000xf32, #tpu.memory_space<vmem>>, vector<16xf32>,
        %parallel_loop3A_219 = arith.mulf %parallel_loop3A_218, %broadcast_in_dim3A_3 : vector<16xf32>
        tpu.vector_store_idx %arg5[%parallel_loop3A_215, %add3A_12], %parallel_loop3A_219 masked %ge3A_9 : memref<96x1000xf32, #tpu.memory_space<vmem>>[vector<16xi32>, vector<16xi32>], vector<16xf32>, vector<16xi1>
        %parallel_loop3A_220 = arith.index_cast %parallel_loop3A_213 : i32 to index
        %parallel_loop3A_221 = arith.constant 0 : index
        %parallel_loop3A_222 = tpu.vector_load %arg5[%parallel_loop3A_220, %parallel_loop3A_221] {strides = array<i32>} : memref<96x1000xf32, #tpu.memory_space<vmem>>, vector<16xf32>,
        %parallel_loop3A_223 = arith.mulf %parallel_loop3A_222, %broadcast_in_dim3A_3 : vector<16xf32>
        %parallel_loop3A_224 = arith.index_cast %parallel_loop3A_213 : i32 to index
        %parallel_loop3A_225 = arith.constant 0 : index
        %parallel_loop3A_226 = tpu.vector_load %arg5[%parallel_loop3A_224, %parallel_loop3A_225] {strides = array<i32>} : memref<96x1000xf32, #tpu.memory_space<vmem>>, vector<16xf32>,
        tpu.vector_store %arg5[%parallel_loop3A_224, %parallel_loop3A_225], %parallel_loop3A_223 {strides = array<i32>} : memref<96x1000xf32, #tpu.memory_space<vmem>>, vector<16xf32>,
        %parallel_loop3A_227 = arith.index_cast %parallel_loop3A_213 : i32 to index
        %parallel_loop3A_228 = arith.constant 16 : index
        %parallel_loop3A_229 = tpu.vector_load %arg5[%parallel_loop3A_227, %parallel_loop3A_228] {strides = array<i32>} : memref<96x1000xf32, #tpu.memory_space<vmem>>, vector<16xf32>,
        %parallel_loop3A_230 = arith.mulf %parallel_loop3A_229, %broadcast_in_dim3A_3 : vector<16xf32>
        %parallel_loop3A_231 = arith.index_cast %parallel_loop3A_213 : i32 to index
        %parallel_loop3A_232 = arith.constant 16 : index
        %parallel_loop3A_233 = tpu.vector_load %arg5[%parallel_loop3A_231, %parallel_loop3A_232] {strides = array<i32>} : memref<96x1000xf32, #tpu.memory_space<vmem>>, vector<16xf32>,
        tpu.vector_store %arg5[%parallel_loop3A_231, %parallel_loop3A_232], %parallel_loop3A_230 {strides = array<i32>} : memref<96x1000xf32, #tpu.memory_space<vmem>>, vector<16xf32>,
        %parallel_loop3A_234 = arith.index_cast %parallel_loop3A_213 : i32 to index
        %parallel_loop3A_235 = arith.constant 32 : index
        %parallel_loop3A_236 = tpu.vector_load %arg5[%parallel_loop3A_234, %parallel_loop3A_235] {strides = array<i32>} : memref<96x1000xf32, #tpu.memory_space<vmem>>, vector<16xf32>,
        %parallel_loop3A_237 = arith.mulf %parallel_loop3A_236, %broadcast_in_dim3A_3 : vector<16xf32>
        %parallel_loop3A_238 = arith.index_cast %parallel_loop3A_213 : i32 to index
        %parallel_loop3A_239 = arith.constant 32 : index
        %parallel_loop3A_240 = tpu.vector_load %arg5[%parallel_loop3A_238, %parallel_loop3A_239] {strides = array<i32>} : memref<96x1000xf32, #tpu.memory_space<vmem>>, vector<16xf32>,
        tpu.vector_store %arg5[%parallel_loop3A_238, %parallel_loop3A_239], %parallel_loop3A_237 {strides = array<i32>} : memref<96x1000xf32, #tpu.memory_space<vmem>>, vector<16xf32>,
        %parallel_loop3A_241 = arith.index_cast %parallel_loop3A_213 : i32 to index
        %parallel_loop3A_242 = arith.constant 48 : index
        %parallel_loop3A_243 = tpu.vector_load %arg5[%parallel_loop3A_241, %parallel_loop3A_242] {strides = array<i32>} : memref<96x1000xf32, #tpu.memory_space<vmem>>, vector<16xf32>,
        %parallel_loop3A_244 = arith.mulf %parallel_loop3A_243, %broadcast_in_dim3A_3 : vector<16xf32>
        %parallel_loop3A_245 = arith.index_cast %parallel_loop3A_213 : i32 to index
        %parallel_loop3A_246 = arith.constant 48 : index
        %parallel_loop3A_247 = tpu.vector_load %arg5[%parallel_loop3A_245, %parallel_loop3A_246] {strides = array<i32>} : memref<96x1000xf32, #tpu.memory_space<vmem>>, vector<16xf32>,
        tpu.vector_store %arg5[%parallel_loop3A_245, %parallel_loop3A_246], %parallel_loop3A_244 {strides = array<i32>} : memref<96x1000xf32, #tpu.memory_space<vmem>>, vector<16xf32>,
        %parallel_loop3A_248 = arith.index_cast %parallel_loop3A_213 : i32 to index
        %parallel_loop3A_249 = arith.constant 64 : index
        %parallel_loop3A_250 = tpu.vector_load %arg5[%parallel_loop3A_248, %parallel_loop3A_249] {strides = array<i32>} : memref<96x1000xf32, #tpu.memory_space<vmem>>, vector<16xf32>,
        %parallel_loop3A_251 = arith.mulf %parallel_loop3A_250, %broadcast_in_dim3A_3 : vector<16xf32>
        %parallel_loop3A_252 = arith.index_cast %parallel_loop3A_213 : i32 to index
        %parallel_loop3A_253 = arith.constant 64 : index
        %parallel_loop3A_254 = tpu.vector_load %arg5[%parallel_loop3A_252, %parallel_loop3A_253] {strides = array<i32>} : memref<96x1000xf32, #tpu.memory_space<vmem>>, vector<16xf32>,
        tpu.vector_store %arg5[%parallel_loop3A_252, %parallel_loop3A_253], %parallel_loop3A_251 {strides = array<i32>} : memref<96x1000xf32, #tpu.memory_space<vmem>>, vector<16xf32>,
        %parallel_loop3A_255 = arith.index_cast %parallel_loop3A_213 : i32 to index
        %parallel_loop3A_256 = arith.constant 80 : index
        %parallel_loop3A_257 = tpu.vector_load %arg5[%parallel_loop3A_255, %parallel_loop3A_256] {strides = array<i32>} : memref<96x1000xf32, #tpu.memory_space<vmem>>, vector<16xf32>,
        %parallel_loop3A_258 = arith.mulf %parallel_loop3A_257, %broadcast_in_dim3A_3 : vector<16xf32>
        %parallel_loop3A_259 = arith.index_cast %parallel_loop3A_213 : i32 to index
        %parallel_loop3A_260 = arith.constant 80 : index
        %parallel_loop3A_261 = tpu.vector_load %arg5[%parallel_loop3A_259, %parallel_loop3A_260] {strides = array<i32>} : memref<96x1000xf32, #tpu.memory_space<vmem>>, vector<16xf32>,
        tpu.vector_store %arg5[%parallel_loop3A_259, %parallel_loop3A_260], %parallel_loop3A_258 {strides = array<i32>} : memref<96x1000xf32, #tpu.memory_space<vmem>>, vector<16xf32>,
        %parallel_loop3A_262 = arith.index_cast %parallel_loop3A_213 : i32 to index
        %parallel_loop3A_263 = arith.constant 96 : index
        %parallel_loop3A_264 = tpu.vector_load %arg5[%parallel_loop3A_262, %parallel_loop3A_263] {strides = array<i32>} : memref<96x1000xf32, #tpu.memory_space<vmem>>, vector<16xf32>,
        %parallel_loop3A_265 = arith.mulf %parallel_loop3A_264, %broadcast_in_dim3A_3 : vector<16xf32>
        %parallel_loop3A_266 = arith.index_cast %parallel_loop3A_213 : i32 to index
        %parallel_loop3A_267 = arith.constant 96 : index
        %parallel_loop3A_268 = tpu.vector_load %arg5[%parallel_loop3A_266, %parallel_loop3A_267] {strides = array<i32>} : memref<96x1000xf32, #tpu.memory_space<vmem>>, vector<16xf32>,
        tpu.vector_store %arg5[%parallel_loop3A_266, %parallel_loop3A_267], %parallel_loop3A_265 {strides = array<i32>} : memref<96x1000xf32, #tpu.memory_space<vmem>>, vector<16xf32>,
        %parallel_loop3A_269 = arith.index_cast %parallel_loop3A_213 : i32 to index
        %parallel_loop3A_270 = arith.constant 112 : index
        %parallel_loop3A_271 = tpu.vector_load %arg5[%parallel_loop3A_269, %parallel_loop3A_270] {strides = array<i32>} : memref<96x1000xf32, #tpu.memory_space<vmem>>, vector<16xf32>,
        %parallel_loop3A_272 = arith.mulf %parallel_loop3A_271, %broadcast_in_dim3A_3 : vector<16xf32>
        %parallel_loop3A_273 = arith.index_cast %parallel_loop3A_213 : i32 to index
        %parallel_loop3A_274 = arith.constant 112 : index
        %parallel_loop3A_275 = tpu.vector_load %arg5[%parallel_loop3A_273, %parallel_loop3A_274] {strides = array<i32>} : memref<96x1000xf32, #tpu.memory_space<vmem>>, vector<16xf32>,
        tpu.vector_store %arg5[%parallel_loop3A_273, %parallel_loop3A_274], %parallel_loop3A_272 {strides = array<i32>} : memref<96x1000xf32, #tpu.memory_space<vmem>>, vector<16xf32>,
        %parallel_loop3A_276 = arith.index_cast %parallel_loop3A_213 : i32 to index
        %parallel_loop3A_277 = arith.constant 128 : index
        %parallel_loop3A_278 = tpu.vector_load %arg5[%parallel_loop3A_276, %parallel_loop3A_277] {strides = array<i32>} : memref<96x1000xf32, #tpu.memory_space<vmem>>, vector<16xf32>,
        %parallel_loop3A_279 = arith.mulf %parallel_loop3A_278, %broadcast_in_dim3A_3 : vector<16xf32>
        %parallel_loop3A_280 = arith.index_cast %parallel_loop3A_213 : i32 to index
        %parallel_loop3A_281 = arith.constant 128 : index
        %parallel_loop3A_282 = tpu.vector_load %arg5[%parallel_loop3A_280, %parallel_loop3A_281] {strides = array<i32>} : memref<96x1000xf32, #tpu.memory_space<vmem>>, vector<16xf32>,
        tpu.vector_store %arg5[%parallel_loop3A_280, %parallel_loop3A_281], %parallel_loop3A_279 {strides = array<i32>} : memref<96x1000xf32, #tpu.memory_space<vmem>>, vector<16xf32>,
        %parallel_loop3A_283 = arith.index_cast %parallel_loop3A_213 : i32 to index
        %parallel_loop3A_284 = arith.constant 144 : index
        %parallel_loop3A_285 = tpu.vector_load %arg5[%parallel_loop3A_283, %parallel_loop3A_284] {strides = array<i32>} : memref<96x1000xf32, #tpu.memory_space<vmem>>, vector<16xf32>,
        %parallel_loop3A_286 = arith.mulf %parallel_loop3A_285, %broadcast_in_dim3A_3 : vector<16xf32>
        %parallel_loop3A_287 = arith.index_cast %parallel_loop3A_213 : i32 to index
        %parallel_loop3A_288 = arith.constant 144 : index
        %parallel_loop3A_289 = tpu.vector_load %arg5[%parallel_loop3A_287, %parallel_loop3A_288] {strides = array<i32>} : memref<96x1000xf32, #tpu.memory_space<vmem>>, vector<16xf32>,
        tpu.vector_store %arg5[%parallel_loop3A_287, %parallel_loop3A_288], %parallel_loop3A_286 {strides = array<i32>} : memref<96x1000xf32, #tpu.memory_space<vmem>>, vector<16xf32>,
        %parallel_loop3A_290 = arith.index_cast %parallel_loop3A_213 : i32 to index
        %parallel_loop3A_291 = arith.constant 160 : index
        %parallel_loop3A_292 = tpu.vector_load %arg5[%parallel_loop3A_290, %parallel_loop3A_291] {strides = array<i32>} : memref<96x1000xf32, #tpu.memory_space<vmem>>, vector<16xf32>,
        %parallel_loop3A_293 = arith.mulf %parallel_loop3A_292, %broadcast_in_dim3A_3 : vector<16xf32>
        %parallel_loop3A_294 = arith.index_cast %parallel_loop3A_213 : i32 to index
        %parallel_loop3A_295 = arith.constant 160 : index
        %parallel_loop3A_296 = tpu.vector_load %arg5[%parallel_loop3A_294, %parallel_loop3A_295] {strides = array<i32>} : memref<96x1000xf32, #tpu.memory_space<vmem>>, vector<16xf32>,
        tpu.vector_store %arg5[%parallel_loop3A_294, %parallel_loop3A_295], %parallel_loop3A_293 {strides = array<i32>} : memref<96x1000xf32, #tpu.memory_space<vmem>>, vector<16xf32>,
        %parallel_loop3A_297 = arith.index_cast %parallel_loop3A_213 : i32 to index
        %parallel_loop3A_298 = arith.constant 176 : index
        %parallel_loop3A_299 = tpu.vector_load %arg5[%parallel_loop3A_297, %parallel_loop3A_298] {strides = array<i32>} : memref<96x1000xf32, #tpu.memory_space<vmem>>, vector<16xf32>,
        %parallel_loop3A_300 = arith.mulf %parallel_loop3A_299, %broadcast_in_dim3A_3 : vector<16xf32>
        %parallel_loop3A_301 = arith.index_cast %parallel_loop3A_213 : i32 to index
        %parallel_loop3A_302 = arith.constant 176 : index
        %parallel_loop3A_303 = tpu.vector_load %arg5[%parallel_loop3A_301, %parallel_loop3A_302] {strides = array<i32>} : memref<96x1000xf32, #tpu.memory_space<vmem>>, vector<16xf32>,
        tpu.vector_store %arg5[%parallel_loop3A_301, %parallel_loop3A_302], %parallel_loop3A_300 {strides = array<i32>} : memref<96x1000xf32, #tpu.memory_space<vmem>>, vector<16xf32>,
        %parallel_loop3A_304 = arith.index_cast %parallel_loop3A_213 : i32 to index
        %parallel_loop3A_305 = arith.constant 192 : index
        %parallel_loop3A_306 = tpu.vector_load %arg5[%parallel_loop3A_304, %parallel_loop3A_305] {strides = array<i32>} : memref<96x1000xf32, #tpu.memory_space<vmem>>, vector<16xf32>,
        %parallel_loop3A_307 = arith.mulf %parallel_loop3A_306, %broadcast_in_dim3A_3 : vector<16xf32>
        %parallel_loop3A_308 = arith.index_cast %parallel_loop3A_213 : i32 to index
        %parallel_loop3A_309 = arith.constant 192 : index
        %parallel_loop3A_310 = tpu.vector_load %arg5[%parallel_loop3A_308, %parallel_loop3A_309] {strides = array<i32>} : memref<96x1000xf32, #tpu.memory_space<vmem>>, vector<16xf32>,
        tpu.vector_store %arg5[%parallel_loop3A_308, %parallel_loop3A_309], %parallel_loop3A_307 {strides = array<i32>} : memref<96x1000xf32, #tpu.memory_space<vmem>>, vector<16xf32>,
        %parallel_loop3A_311 = arith.index_cast %parallel_loop3A_213 : i32 to index
        %parallel_loop3A_312 = arith.constant 208 : index
        %parallel_loop3A_313 = tpu.vector_load %arg5[%parallel_loop3A_311, %parallel_loop3A_312] {strides = array<i32>} : memref<96x1000xf32, #tpu.memory_space<vmem>>, vector<16xf32>,
        %parallel_loop3A_314 = arith.mulf %parallel_loop3A_313, %broadcast_in_dim3A_3 : vector<16xf32>
        %parallel_loop3A_315 = arith.index_cast %parallel_loop3A_213 : i32 to index
        %parallel_loop3A_316 = arith.constant 208 : index
        %parallel_loop3A_317 = tpu.vector_load %arg5[%parallel_loop3A_315, %parallel_loop3A_316] {strides = array<i32>} : memref<96x1000xf32, #tpu.memory_space<vmem>>, vector<16xf32>,
        tpu.vector_store %arg5[%parallel_loop3A_315, %parallel_loop3A_316], %parallel_loop3A_314 {strides = array<i32>} : memref<96x1000xf32, #tpu.memory_space<vmem>>, vector<16xf32>,
        %parallel_loop3A_318 = arith.index_cast %parallel_loop3A_213 : i32 to index
        %parallel_loop3A_319 = arith.constant 224 : index
        %parallel_loop3A_320 = tpu.vector_load %arg5[%parallel_loop3A_318, %parallel_loop3A_319] {strides = array<i32>} : memref<96x1000xf32, #tpu.memory_space<vmem>>, vector<16xf32>,
        %parallel_loop3A_321 = arith.mulf %parallel_loop3A_320, %broadcast_in_dim3A_3 : vector<16xf32>
        %parallel_loop3A_322 = arith.index_cast %parallel_loop3A_213 : i32 to index
        %parallel_loop3A_323 = arith.constant 224 : index
        %parallel_loop3A_324 = tpu.vector_load %arg5[%parallel_loop3A_322, %parallel_loop3A_323] {strides = array<i32>} : memref<96x1000xf32, #tpu.memory_space<vmem>>, vector<16xf32>,
        tpu.vector_store %arg5[%parallel_loop3A_322, %parallel_loop3A_323], %parallel_loop3A_321 {strides = array<i32>} : memref<96x1000xf32, #tpu.memory_space<vmem>>, vector<16xf32>,
        %parallel_loop3A_325 = arith.index_cast %parallel_loop3A_213 : i32 to index
        %parallel_loop3A_326 = arith.constant 240 : index
        %parallel_loop3A_327 = tpu.vector_load %arg5[%parallel_loop3A_325, %parallel_loop3A_326] {strides = array<i32>} : memref<96x1000xf32, #tpu.memory_space<vmem>>, vector<16xf32>,
        %parallel_loop3A_328 = arith.mulf %parallel_loop3A_327, %broadcast_in_dim3A_3 : vector<16xf32>
        %parallel_loop3A_329 = arith.index_cast %parallel_loop3A_213 : i32 to index
        %parallel_loop3A_330 = arith.constant 240 : index
        %parallel_loop3A_331 = tpu.vector_load %arg5[%parallel_loop3A_329, %parallel_loop3A_330] {strides = array<i32>} : memref<96x1000xf32, #tpu.memory_space<vmem>>, vector<16xf32>,
        tpu.vector_store %arg5[%parallel_loop3A_329, %parallel_loop3A_330], %parallel_loop3A_328 {strides = array<i32>} : memref<96x1000xf32, #tpu.memory_space<vmem>>, vector<16xf32>,
        %parallel_loop3A_332 = arith.index_cast %parallel_loop3A_213 : i32 to index
        %parallel_loop3A_333 = arith.constant 256 : index
        %parallel_loop3A_334 = tpu.vector_load %arg5[%parallel_loop3A_332, %parallel_loop3A_333] {strides = array<i32>} : memref<96x1000xf32, #tpu.memory_space<vmem>>, vector<16xf32>,
        %parallel_loop3A_335 = arith.mulf %parallel_loop3A_334, %broadcast_in_dim3A_3 : vector<16xf32>
        %parallel_loop3A_336 = arith.index_cast %parallel_loop3A_213 : i32 to index
        %parallel_loop3A_337 = arith.constant 256 : index
        %parallel_loop3A_338 = tpu.vector_load %arg5[%parallel_loop3A_336, %parallel_loop3A_337] {strides = array<i32>} : memref<96x1000xf32, #tpu.memory_space<vmem>>, vector<16xf32>,
        tpu.vector_store %arg5[%parallel_loop3A_336, %parallel_loop3A_337], %parallel_loop3A_335 {strides = array<i32>} : memref<96x1000xf32, #tpu.memory_space<vmem>>, vector<16xf32>,
        %parallel_loop3A_339 = arith.index_cast %parallel_loop3A_213 : i32 to index
        %parallel_loop3A_340 = arith.constant 272 : index
        %parallel_loop3A_341 = tpu.vector_load %arg5[%parallel_loop3A_339, %parallel_loop3A_340] {strides = array<i32>} : memref<96x1000xf32, #tpu.memory_space<vmem>>, vector<16xf32>,
        %parallel_loop3A_342 = arith.mulf %parallel_loop3A_341, %broadcast_in_dim3A_3 : vector<16xf32>
        %parallel_loop3A_343 = arith.index_cast %parallel_loop3A_213 : i32 to index
        %parallel_loop3A_344 = arith.constant 272 : index
        %parallel_loop3A_345 = tpu.vector_load %arg5[%parallel_loop3A_343, %parallel_loop3A_344] {strides = array<i32>} : memref<96x1000xf32, #tpu.memory_space<vmem>>, vector<16xf32>,
        tpu.vector_store %arg5[%parallel_loop3A_343, %parallel_loop3A_344], %parallel_loop3A_342 {strides = array<i32>} : memref<96x1000xf32, #tpu.memory_space<vmem>>, vector<16xf32>,
        %parallel_loop3A_346 = arith.index_cast %parallel_loop3A_213 : i32 to index
        %parallel_loop3A_347 = arith.constant 288 : index
        %parallel_loop3A_348 = tpu.vector_load %arg5[%parallel_loop3A_346, %parallel_loop3A_347] {strides = array<i32>} : memref<96x1000xf32, #tpu.memory_space<vmem>>, vector<16xf32>,
        %parallel_loop3A_349 = arith.mulf %parallel_loop3A_348, %broadcast_in_dim3A_3 : vector<16xf32>
        %parallel_loop3A_350 = arith.index_cast %parallel_loop3A_213 : i32 to index
        %parallel_loop3A_351 = arith.constant 288 : index
        %parallel_loop3A_352 = tpu.vector_load %arg5[%parallel_loop3A_350, %parallel_loop3A_351] {strides = array<i32>} : memref<96x1000xf32, #tpu.memory_space<vmem>>, vector<16xf32>,
        tpu.vector_store %arg5[%parallel_loop3A_350, %parallel_loop3A_351], %parallel_loop3A_349 {strides = array<i32>} : memref<96x1000xf32, #tpu.memory_space<vmem>>, vector<16xf32>,
        %parallel_loop3A_353 = arith.index_cast %parallel_loop3A_213 : i32 to index
        %parallel_loop3A_354 = arith.constant 304 : index
        %parallel_loop3A_355 = tpu.vector_load %arg5[%parallel_loop3A_353, %parallel_loop3A_354] {strides = array<i32>} : memref<96x1000xf32, #tpu.memory_space<vmem>>, vector<16xf32>,
        %parallel_loop3A_356 = arith.mulf %parallel_loop3A_355, %broadcast_in_dim3A_3 : vector<16xf32>
        %parallel_loop3A_357 = arith.index_cast %parallel_loop3A_213 : i32 to index
        %parallel_loop3A_358 = arith.constant 304 : index
        %parallel_loop3A_359 = tpu.vector_load %arg5[%parallel_loop3A_357, %parallel_loop3A_358] {strides = array<i32>} : memref<96x1000xf32, #tpu.memory_space<vmem>>, vector<16xf32>,
        tpu.vector_store %arg5[%parallel_loop3A_357, %parallel_loop3A_358], %parallel_loop3A_356 {strides = array<i32>} : memref<96x1000xf32, #tpu.memory_space<vmem>>, vector<16xf32>,
        %parallel_loop3A_360 = arith.index_cast %parallel_loop3A_213 : i32 to index
        %parallel_loop3A_361 = arith.constant 320 : index
        %parallel_loop3A_362 = tpu.vector_load %arg5[%parallel_loop3A_360, %parallel_loop3A_361] {strides = array<i32>} : memref<96x1000xf32, #tpu.memory_space<vmem>>, vector<16xf32>,
        %parallel_loop3A_363 = arith.mulf %parallel_loop3A_362, %broadcast_in_dim3A_3 : vector<16xf32>
        %parallel_loop3A_364 = arith.index_cast %parallel_loop3A_213 : i32 to index
        %parallel_loop3A_365 = arith.constant 320 : index
        %parallel_loop3A_366 = tpu.vector_load %arg5[%parallel_loop3A_364, %parallel_loop3A_365] {strides = array<i32>} : memref<96x1000xf32, #tpu.memory_space<vmem>>, vector<16xf32>,
        tpu.vector_store %arg5[%parallel_loop3A_364, %parallel_loop3A_365], %parallel_loop3A_363 {strides = array<i32>} : memref<96x1000xf32, #tpu.memory_space<vmem>>, vector<16xf32>,
        %parallel_loop3A_367 = arith.index_cast %parallel_loop3A_213 : i32 to index
        %parallel_loop3A_368 = arith.constant 336 : index
        %parallel_loop3A_369 = tpu.vector_load %arg5[%parallel_loop3A_367, %parallel_loop3A_368] {strides = array<i32>} : memref<96x1000xf32, #tpu.memory_space<vmem>>, vector<16xf32>,
        %parallel_loop3A_370 = arith.mulf %parallel_loop3A_369, %broadcast_in_dim3A_3 : vector<16xf32>
        %parallel_loop3A_371 = arith.index_cast %parallel_loop3A_213 : i32 to index
        %parallel_loop3A_372 = arith.constant 336 : index
        %parallel_loop3A_373 = tpu.vector_load %arg5[%parallel_loop3A_371, %parallel_loop3A_372] {strides = array<i32>} : memref<96x1000xf32, #tpu.memory_space<vmem>>, vector<16xf32>,
        tpu.vector_store %arg5[%parallel_loop3A_371, %parallel_loop3A_372], %parallel_loop3A_370 {strides = array<i32>} : memref<96x1000xf32, #tpu.memory_space<vmem>>, vector<16xf32>,
        %parallel_loop3A_374 = arith.index_cast %parallel_loop3A_213 : i32 to index
        %parallel_loop3A_375 = arith.constant 352 : index
        %parallel_loop3A_376 = tpu.vector_load %arg5[%parallel_loop3A_374, %parallel_loop3A_375] {strides = array<i32>} : memref<96x1000xf32, #tpu.memory_space<vmem>>, vector<16xf32>,
        %parallel_loop3A_377 = arith.mulf %parallel_loop3A_376, %broadcast_in_dim3A_3 : vector<16xf32>
        %parallel_loop3A_378 = arith.index_cast %parallel_loop3A_213 : i32 to index
        %parallel_loop3A_379 = arith.constant 352 : index
        %parallel_loop3A_380 = tpu.vector_load %arg5[%parallel_loop3A_378, %parallel_loop3A_379] {strides = array<i32>} : memref<96x1000xf32, #tpu.memory_space<vmem>>, vector<16xf32>,
        tpu.vector_store %arg5[%parallel_loop3A_378, %parallel_loop3A_379], %parallel_loop3A_377 {strides = array<i32>} : memref<96x1000xf32, #tpu.memory_space<vmem>>, vector<16xf32>,
        %parallel_loop3A_381 = arith.index_cast %parallel_loop3A_213 : i32 to index
        %parallel_loop3A_382 = arith.constant 368 : index
        %parallel_loop3A_383 = tpu.vector_load %arg5[%parallel_loop3A_381, %parallel_loop3A_382] {strides = array<i32>} : memref<96x1000xf32, #tpu.memory_space<vmem>>, vector<16xf32>,
        %parallel_loop3A_384 = arith.mulf %parallel_loop3A_383, %broadcast_in_dim3A_3 : vector<16xf32>
        %parallel_loop3A_385 = arith.index_cast %parallel_loop3A_213 : i32 to index
        %parallel_loop3A_386 = arith.constant 368 : index
        %parallel_loop3A_387 = tpu.vector_load %arg5[%parallel_loop3A_385, %parallel_loop3A_386] {strides = array<i32>} : memref<96x1000xf32, #tpu.memory_space<vmem>>, vector<16xf32>,
        tpu.vector_store %arg5[%parallel_loop3A_385, %parallel_loop3A_386], %parallel_loop3A_384 {strides = array<i32>} : memref<96x1000xf32, #tpu.memory_space<vmem>>, vector<16xf32>,
        %parallel_loop3A_388 = arith.index_cast %parallel_loop3A_213 : i32 to index
        %parallel_loop3A_389 = arith.constant 384 : index
        %parallel_loop3A_390 = tpu.vector_load %arg5[%parallel_loop3A_388, %parallel_loop3A_389] {strides = array<i32>} : memref<96x1000xf32, #tpu.memory_space<vmem>>, vector<16xf32>,
        %parallel_loop3A_391 = arith.mulf %parallel_loop3A_390, %broadcast_in_dim3A_3 : vector<16xf32>
        %parallel_loop3A_392 = arith.index_cast %parallel_loop3A_213 : i32 to index
        %parallel_loop3A_393 = arith.constant 384 : index
        %parallel_loop3A_394 = tpu.vector_load %arg5[%parallel_loop3A_392, %parallel_loop3A_393] {strides = array<i32>} : memref<96x1000xf32, #tpu.memory_space<vmem>>, vector<16xf32>,
        tpu.vector_store %arg5[%parallel_loop3A_392, %parallel_loop3A_393], %parallel_loop3A_391 {strides = array<i32>} : memref<96x1000xf32, #tpu.memory_space<vmem>>, vector<16xf32>,
        %parallel_loop3A_395 = arith.index_cast %parallel_loop3A_213 : i32 to index
        %parallel_loop3A_396 = arith.constant 400 : index
        %parallel_loop3A_397 = tpu.vector_load %arg5[%parallel_loop3A_395, %parallel_loop3A_396] {strides = array<i32>} : memref<96x1000xf32, #tpu.memory_space<vmem>>, vector<16xf32>,
        %parallel_loop3A_398 = arith.mulf %parallel_loop3A_397, %broadcast_in_dim3A_3 : vector<16xf32>
        %parallel_loop3A_399 = arith.index_cast %parallel_loop3A_213 : i32 to index
        %parallel_loop3A_400 = arith.constant 400 : index
        %parallel_loop3A_401 = tpu.vector_load %arg5[%parallel_loop3A_399, %parallel_loop3A_400] {strides = array<i32>} : memref<96x1000xf32, #tpu.memory_space<vmem>>, vector<16xf32>,
        tpu.vector_store %arg5[%parallel_loop3A_399, %parallel_loop3A_400], %parallel_loop3A_398 {strides = array<i32>} : memref<96x1000xf32, #tpu.memory_space<vmem>>, vector<16xf32>,
        %parallel_loop3A_402 = arith.index_cast %parallel_loop3A_213 : i32 to index
        %parallel_loop3A_403 = arith.constant 416 : index
        %parallel_loop3A_404 = tpu.vector_load %arg5[%parallel_loop3A_402, %parallel_loop3A_403] {strides = array<i32>} : memref<96x1000xf32, #tpu.memory_space<vmem>>, vector<16xf32>,
        %parallel_loop3A_405 = arith.mulf %parallel_loop3A_404, %broadcast_in_dim3A_3 : vector<16xf32>
        %parallel_loop3A_406 = arith.index_cast %parallel_loop3A_213 : i32 to index
        %parallel_loop3A_407 = arith.constant 416 : index
        %parallel_loop3A_408 = tpu.vector_load %arg5[%parallel_loop3A_406, %parallel_loop3A_407] {strides = array<i32>} : memref<96x1000xf32, #tpu.memory_space<vmem>>, vector<16xf32>,
        tpu.vector_store %arg5[%parallel_loop3A_406, %parallel_loop3A_407], %parallel_loop3A_405 {strides = array<i32>} : memref<96x1000xf32, #tpu.memory_space<vmem>>, vector<16xf32>,
        %parallel_loop3A_409 = arith.index_cast %parallel_loop3A_213 : i32 to index
        %parallel_loop3A_410 = arith.constant 432 : index
        %parallel_loop3A_411 = tpu.vector_load %arg5[%parallel_loop3A_409, %parallel_loop3A_410] {strides = array<i32>} : memref<96x1000xf32, #tpu.memory_space<vmem>>, vector<16xf32>,
        %parallel_loop3A_412 = arith.mulf %parallel_loop3A_411, %broadcast_in_dim3A_3 : vector<16xf32>
        %parallel_loop3A_413 = arith.index_cast %parallel_loop3A_213 : i32 to index
        %parallel_loop3A_414 = arith.constant 432 : index
        %parallel_loop3A_415 = tpu.vector_load %arg5[%parallel_loop3A_413, %parallel_loop3A_414] {strides = array<i32>} : memref<96x1000xf32, #tpu.memory_space<vmem>>, vector<16xf32>,
        tpu.vector_store %arg5[%parallel_loop3A_413, %parallel_loop3A_414], %parallel_loop3A_412 {strides = array<i32>} : memref<96x1000xf32, #tpu.memory_space<vmem>>, vector<16xf32>,
        %parallel_loop3A_416 = arith.index_cast %parallel_loop3A_213 : i32 to index
        %parallel_loop3A_417 = arith.constant 448 : index
        %parallel_loop3A_418 = tpu.vector_load %arg5[%parallel_loop3A_416, %parallel_loop3A_417] {strides = array<i32>} : memref<96x1000xf32, #tpu.memory_space<vmem>>, vector<16xf32>,
        %parallel_loop3A_419 = arith.mulf %parallel_loop3A_418, %broadcast_in_dim3A_3 : vector<16xf32>
        %parallel_loop3A_420 = arith.index_cast %parallel_loop3A_213 : i32 to index
        %parallel_loop3A_421 = arith.constant 448 : index
        %parallel_loop3A_422 = tpu.vector_load %arg5[%parallel_loop3A_420, %parallel_loop3A_421] {strides = array<i32>} : memref<96x1000xf32, #tpu.memory_space<vmem>>, vector<16xf32>,
        tpu.vector_store %arg5[%parallel_loop3A_420, %parallel_loop3A_421], %parallel_loop3A_419 {strides = array<i32>} : memref<96x1000xf32, #tpu.memory_space<vmem>>, vector<16xf32>,
        %parallel_loop3A_423 = arith.index_cast %parallel_loop3A_213 : i32 to index
        %parallel_loop3A_424 = arith.constant 464 : index
        %parallel_loop3A_425 = tpu.vector_load %arg5[%parallel_loop3A_423, %parallel_loop3A_424] {strides = array<i32>} : memref<96x1000xf32, #tpu.memory_space<vmem>>, vector<16xf32>,
        %parallel_loop3A_426 = arith.mulf %parallel_loop3A_425, %broadcast_in_dim3A_3 : vector<16xf32>
        %parallel_loop3A_427 = arith.index_cast %parallel_loop3A_213 : i32 to index
        %parallel_loop3A_428 = arith.constant 464 : index
        %parallel_loop3A_429 = tpu.vector_load %arg5[%parallel_loop3A_427, %parallel_loop3A_428] {strides = array<i32>} : memref<96x1000xf32, #tpu.memory_space<vmem>>, vector<16xf32>,
        tpu.vector_store %arg5[%parallel_loop3A_427, %parallel_loop3A_428], %parallel_loop3A_426 {strides = array<i32>} : memref<96x1000xf32, #tpu.memory_space<vmem>>, vector<16xf32>,
        %parallel_loop3A_430 = arith.index_cast %parallel_loop3A_213 : i32 to index
        %parallel_loop3A_431 = arith.constant 480 : index
        %parallel_loop3A_432 = tpu.vector_load %arg5[%parallel_loop3A_430, %parallel_loop3A_431] {strides = array<i32>} : memref<96x1000xf32, #tpu.memory_space<vmem>>, vector<16xf32>,
        %parallel_loop3A_433 = arith.mulf %parallel_loop3A_432, %broadcast_in_dim3A_3 : vector<16xf32>
        %parallel_loop3A_434 = arith.index_cast %parallel_loop3A_213 : i32 to index
        %parallel_loop3A_435 = arith.constant 480 : index
        %parallel_loop3A_436 = tpu.vector_load %arg5[%parallel_loop3A_434, %parallel_loop3A_435] {strides = array<i32>} : memref<96x1000xf32, #tpu.memory_space<vmem>>, vector<16xf32>,
        tpu.vector_store %arg5[%parallel_loop3A_434, %parallel_loop3A_435], %parallel_loop3A_433 {strides = array<i32>} : memref<96x1000xf32, #tpu.memory_space<vmem>>, vector<16xf32>,
        %parallel_loop3A_437 = arith.index_cast %parallel_loop3A_213 : i32 to index
        %parallel_loop3A_438 = arith.constant 496 : index
        %parallel_loop3A_439 = tpu.vector_load %arg5[%parallel_loop3A_437, %parallel_loop3A_438] {strides = array<i32>} : memref<96x1000xf32, #tpu.memory_space<vmem>>, vector<16xf32>,
        %parallel_loop3A_440 = arith.mulf %parallel_loop3A_439, %broadcast_in_dim3A_3 : vector<16xf32>
        %parallel_loop3A_441 = arith.index_cast %parallel_loop3A_213 : i32 to index
        %parallel_loop3A_442 = arith.constant 496 : index
        %parallel_loop3A_443 = tpu.vector_load %arg5[%parallel_loop3A_441, %parallel_loop3A_442] {strides = array<i32>} : memref<96x1000xf32, #tpu.memory_space<vmem>>, vector<16xf32>,
        tpu.vector_store %arg5[%parallel_loop3A_441, %parallel_loop3A_442], %parallel_loop3A_440 {strides = array<i32>} : memref<96x1000xf32, #tpu.memory_space<vmem>>, vector<16xf32>,
        %parallel_loop3A_444 = arith.index_cast %parallel_loop3A_213 : i32 to index
        %parallel_loop3A_445 = arith.constant 512 : index
        %parallel_loop3A_446 = tpu.vector_load %arg5[%parallel_loop3A_444, %parallel_loop3A_445] {strides = array<i32>} : memref<96x1000xf32, #tpu.memory_space<vmem>>, vector<16xf32>,
        %parallel_loop3A_447 = arith.mulf %parallel_loop3A_446, %broadcast_in_dim3A_3 : vector<16xf32>
        %parallel_loop3A_448 = arith.index_cast %parallel_loop3A_213 : i32 to index
        %parallel_loop3A_449 = arith.constant 512 : index
        %parallel_loop3A_450 = tpu.vector_load %arg5[%parallel_loop3A_448, %parallel_loop3A_449] {strides = array<i32>} : memref<96x1000xf32, #tpu.memory_space<vmem>>, vector<16xf32>,
        tpu.vector_store %arg5[%parallel_loop3A_448, %parallel_loop3A_449], %parallel_loop3A_447 {strides = array<i32>} : memref<96x1000xf32, #tpu.memory_space<vmem>>, vector<16xf32>,
        %parallel_loop3A_451 = arith.index_cast %parallel_loop3A_213 : i32 to index
        %parallel_loop3A_452 = arith.constant 528 : index
        %parallel_loop3A_453 = tpu.vector_load %arg5[%parallel_loop3A_451, %parallel_loop3A_452] {strides = array<i32>} : memref<96x1000xf32, #tpu.memory_space<vmem>>, vector<16xf32>,
        %parallel_loop3A_454 = arith.mulf %parallel_loop3A_453, %broadcast_in_dim3A_3 : vector<16xf32>
        %parallel_loop3A_455 = arith.index_cast %parallel_loop3A_213 : i32 to index
        %parallel_loop3A_456 = arith.constant 528 : index
        %parallel_loop3A_457 = tpu.vector_load %arg5[%parallel_loop3A_455, %parallel_loop3A_456] {strides = array<i32>} : memref<96x1000xf32, #tpu.memory_space<vmem>>, vector<16xf32>,
        tpu.vector_store %arg5[%parallel_loop3A_455, %parallel_loop3A_456], %parallel_loop3A_454 {strides = array<i32>} : memref<96x1000xf32, #tpu.memory_space<vmem>>, vector<16xf32>,
        %parallel_loop3A_458 = arith.index_cast %parallel_loop3A_213 : i32 to index
        %parallel_loop3A_459 = arith.constant 544 : index
        %parallel_loop3A_460 = tpu.vector_load %arg5[%parallel_loop3A_458, %parallel_loop3A_459] {strides = array<i32>} : memref<96x1000xf32, #tpu.memory_space<vmem>>, vector<16xf32>,
        %parallel_loop3A_461 = arith.mulf %parallel_loop3A_460, %broadcast_in_dim3A_3 : vector<16xf32>
        %parallel_loop3A_462 = arith.index_cast %parallel_loop3A_213 : i32 to index
        %parallel_loop3A_463 = arith.constant 544 : index
        %parallel_loop3A_464 = tpu.vector_load %arg5[%parallel_loop3A_462, %parallel_loop3A_463] {strides = array<i32>} : memref<96x1000xf32, #tpu.memory_space<vmem>>, vector<16xf32>,
        tpu.vector_store %arg5[%parallel_loop3A_462, %parallel_loop3A_463], %parallel_loop3A_461 {strides = array<i32>} : memref<96x1000xf32, #tpu.memory_space<vmem>>, vector<16xf32>,
        %parallel_loop3A_465 = arith.index_cast %parallel_loop3A_213 : i32 to index
        %parallel_loop3A_466 = arith.constant 560 : index
        %parallel_loop3A_467 = tpu.vector_load %arg5[%parallel_loop3A_465, %parallel_loop3A_466] {strides = array<i32>} : memref<96x1000xf32, #tpu.memory_space<vmem>>, vector<16xf32>,
        %parallel_loop3A_468 = arith.mulf %parallel_loop3A_467, %broadcast_in_dim3A_3 : vector<16xf32>
        %parallel_loop3A_469 = arith.index_cast %parallel_loop3A_213 : i32 to index
        %parallel_loop3A_470 = arith.constant 560 : index
        %parallel_loop3A_471 = tpu.vector_load %arg5[%parallel_loop3A_469, %parallel_loop3A_470] {strides = array<i32>} : memref<96x1000xf32, #tpu.memory_space<vmem>>, vector<16xf32>,
        tpu.vector_store %arg5[%parallel_loop3A_469, %parallel_loop3A_470], %parallel_loop3A_468 {strides = array<i32>} : memref<96x1000xf32, #tpu.memory_space<vmem>>, vector<16xf32>,
        %parallel_loop3A_472 = arith.index_cast %parallel_loop3A_213 : i32 to index
        %parallel_loop3A_473 = arith.constant 576 : index
        %parallel_loop3A_474 = tpu.vector_load %arg5[%parallel_loop3A_472, %parallel_loop3A_473] {strides = array<i32>} : memref<96x1000xf32, #tpu.memory_space<vmem>>, vector<16xf32>,
        %parallel_loop3A_475 = arith.mulf %parallel_loop3A_474, %broadcast_in_dim3A_3 : vector<16xf32>
        %parallel_loop3A_476 = arith.index_cast %parallel_loop3A_213 : i32 to index
        %parallel_loop3A_477 = arith.constant 576 : index
        %parallel_loop3A_478 = tpu.vector_load %arg5[%parallel_loop3A_476, %parallel_loop3A_477] {strides = array<i32>} : memref<96x1000xf32, #tpu.memory_space<vmem>>, vector<16xf32>,
        tpu.vector_store %arg5[%parallel_loop3A_476, %parallel_loop3A_477], %parallel_loop3A_475 {strides = array<i32>} : memref<96x1000xf32, #tpu.memory_space<vmem>>, vector<16xf32>,
        %parallel_loop3A_479 = arith.index_cast %parallel_loop3A_213 : i32 to index
        %parallel_loop3A_480 = arith.constant 592 : index
        %parallel_loop3A_481 = tpu.vector_load %arg5[%parallel_loop3A_479, %parallel_loop3A_480] {strides = array<i32>} : memref<96x1000xf32, #tpu.memory_space<vmem>>, vector<16xf32>,
        %parallel_loop3A_482 = arith.mulf %parallel_loop3A_481, %broadcast_in_dim3A_3 : vector<16xf32>
        %parallel_loop3A_483 = arith.index_cast %parallel_loop3A_213 : i32 to index
        %parallel_loop3A_484 = arith.constant 592 : index
        %parallel_loop3A_485 = tpu.vector_load %arg5[%parallel_loop3A_483, %parallel_loop3A_484] {strides = array<i32>} : memref<96x1000xf32, #tpu.memory_space<vmem>>, vector<16xf32>,
        tpu.vector_store %arg5[%parallel_loop3A_483, %parallel_loop3A_484], %parallel_loop3A_482 {strides = array<i32>} : memref<96x1000xf32, #tpu.memory_space<vmem>>, vector<16xf32>,
        %parallel_loop3A_486 = arith.index_cast %parallel_loop3A_213 : i32 to index
        %parallel_loop3A_487 = arith.constant 608 : index
        %parallel_loop3A_488 = tpu.vector_load %arg5[%parallel_loop3A_486, %parallel_loop3A_487] {strides = array<i32>} : memref<96x1000xf32, #tpu.memory_space<vmem>>, vector<16xf32>,
        %parallel_loop3A_489 = arith.mulf %parallel_loop3A_488, %broadcast_in_dim3A_3 : vector<16xf32>
        %parallel_loop3A_490 = arith.index_cast %parallel_loop3A_213 : i32 to index
        %parallel_loop3A_491 = arith.constant 608 : index
        %parallel_loop3A_492 = tpu.vector_load %arg5[%parallel_loop3A_490, %parallel_loop3A_491] {strides = array<i32>} : memref<96x1000xf32, #tpu.memory_space<vmem>>, vector<16xf32>,
        tpu.vector_store %arg5[%parallel_loop3A_490, %parallel_loop3A_491], %parallel_loop3A_489 {strides = array<i32>} : memref<96x1000xf32, #tpu.memory_space<vmem>>, vector<16xf32>,
        %parallel_loop3A_493 = arith.index_cast %parallel_loop3A_213 : i32 to index
        %parallel_loop3A_494 = arith.constant 624 : index
        %parallel_loop3A_495 = tpu.vector_load %arg5[%parallel_loop3A_493, %parallel_loop3A_494] {strides = array<i32>} : memref<96x1000xf32, #tpu.memory_space<vmem>>, vector<16xf32>,
        %parallel_loop3A_496 = arith.mulf %parallel_loop3A_495, %broadcast_in_dim3A_3 : vector<16xf32>
        %parallel_loop3A_497 = arith.index_cast %parallel_loop3A_213 : i32 to index
        %parallel_loop3A_498 = arith.constant 624 : index
        %parallel_loop3A_499 = tpu.vector_load %arg5[%parallel_loop3A_497, %parallel_loop3A_498] {strides = array<i32>} : memref<96x1000xf32, #tpu.memory_space<vmem>>, vector<16xf32>,
        tpu.vector_store %arg5[%parallel_loop3A_497, %parallel_loop3A_498], %parallel_loop3A_496 {strides = array<i32>} : memref<96x1000xf32, #tpu.memory_space<vmem>>, vector<16xf32>,
        %parallel_loop3A_500 = arith.index_cast %parallel_loop3A_213 : i32 to index
        %parallel_loop3A_501 = arith.constant 640 : index
        %parallel_loop3A_502 = tpu.vector_load %arg5[%parallel_loop3A_500, %parallel_loop3A_501] {strides = array<i32>} : memref<96x1000xf32, #tpu.memory_space<vmem>>, vector<16xf32>,
        %parallel_loop3A_503 = arith.mulf %parallel_loop3A_502, %broadcast_in_dim3A_3 : vector<16xf32>
        %parallel_loop3A_504 = arith.index_cast %parallel_loop3A_213 : i32 to index
        %parallel_loop3A_505 = arith.constant 640 : index
        %parallel_loop3A_506 = tpu.vector_load %arg5[%parallel_loop3A_504, %parallel_loop3A_505] {strides = array<i32>} : memref<96x1000xf32, #tpu.memory_space<vmem>>, vector<16xf32>,
        tpu.vector_store %arg5[%parallel_loop3A_504, %parallel_loop3A_505], %parallel_loop3A_503 {strides = array<i32>} : memref<96x1000xf32, #tpu.memory_space<vmem>>, vector<16xf32>,
        %parallel_loop3A_507 = arith.index_cast %parallel_loop3A_213 : i32 to index
        %parallel_loop3A_508 = arith.constant 656 : index
        %parallel_loop3A_509 = tpu.vector_load %arg5[%parallel_loop3A_507, %parallel_loop3A_508] {strides = array<i32>} : memref<96x1000xf32, #tpu.memory_space<vmem>>, vector<16xf32>,
        %parallel_loop3A_510 = arith.mulf %parallel_loop3A_509, %broadcast_in_dim3A_3 : vector<16xf32>
        %parallel_loop3A_511 = arith.index_cast %parallel_loop3A_213 : i32 to index
        %parallel_loop3A_512 = arith.constant 656 : index
        %parallel_loop3A_513 = tpu.vector_load %arg5[%parallel_loop3A_511, %parallel_loop3A_512] {strides = array<i32>} : memref<96x1000xf32, #tpu.memory_space<vmem>>, vector<16xf32>,
        tpu.vector_store %arg5[%parallel_loop3A_511, %parallel_loop3A_512], %parallel_loop3A_510 {strides = array<i32>} : memref<96x1000xf32, #tpu.memory_space<vmem>>, vector<16xf32>,
        %parallel_loop3A_514 = arith.index_cast %parallel_loop3A_213 : i32 to index
        %parallel_loop3A_515 = arith.constant 672 : index
        %parallel_loop3A_516 = tpu.vector_load %arg5[%parallel_loop3A_514, %parallel_loop3A_515] {strides = array<i32>} : memref<96x1000xf32, #tpu.memory_space<vmem>>, vector<16xf32>,
        %parallel_loop3A_517 = arith.mulf %parallel_loop3A_516, %broadcast_in_dim3A_3 : vector<16xf32>
        %parallel_loop3A_518 = arith.index_cast %parallel_loop3A_213 : i32 to index
        %parallel_loop3A_519 = arith.constant 672 : index
        %parallel_loop3A_520 = tpu.vector_load %arg5[%parallel_loop3A_518, %parallel_loop3A_519] {strides = array<i32>} : memref<96x1000xf32, #tpu.memory_space<vmem>>, vector<16xf32>,
        tpu.vector_store %arg5[%parallel_loop3A_518, %parallel_loop3A_519], %parallel_loop3A_517 {strides = array<i32>} : memref<96x1000xf32, #tpu.memory_space<vmem>>, vector<16xf32>,
        %parallel_loop3A_521 = arith.index_cast %parallel_loop3A_213 : i32 to index
        %parallel_loop3A_522 = arith.constant 688 : index
        %parallel_loop3A_523 = tpu.vector_load %arg5[%parallel_loop3A_521, %parallel_loop3A_522] {strides = array<i32>} : memref<96x1000xf32, #tpu.memory_space<vmem>>, vector<16xf32>,
        %parallel_loop3A_524 = arith.mulf %parallel_loop3A_523, %broadcast_in_dim3A_3 : vector<16xf32>
        %parallel_loop3A_525 = arith.index_cast %parallel_loop3A_213 : i32 to index
        %parallel_loop3A_526 = arith.constant 688 : index
        %parallel_loop3A_527 = tpu.vector_load %arg5[%parallel_loop3A_525, %parallel_loop3A_526] {strides = array<i32>} : memref<96x1000xf32, #tpu.memory_space<vmem>>, vector<16xf32>,
        tpu.vector_store %arg5[%parallel_loop3A_525, %parallel_loop3A_526], %parallel_loop3A_524 {strides = array<i32>} : memref<96x1000xf32, #tpu.memory_space<vmem>>, vector<16xf32>,
        %parallel_loop3A_528 = arith.index_cast %parallel_loop3A_213 : i32 to index
        %parallel_loop3A_529 = arith.constant 704 : index
        %parallel_loop3A_530 = tpu.vector_load %arg5[%parallel_loop3A_528, %parallel_loop3A_529] {strides = array<i32>} : memref<96x1000xf32, #tpu.memory_space<vmem>>, vector<16xf32>,
        %parallel_loop3A_531 = arith.mulf %parallel_loop3A_530, %broadcast_in_dim3A_3 : vector<16xf32>
        %parallel_loop3A_532 = arith.index_cast %parallel_loop3A_213 : i32 to index
        %parallel_loop3A_533 = arith.constant 704 : index
        %parallel_loop3A_534 = tpu.vector_load %arg5[%parallel_loop3A_532, %parallel_loop3A_533] {strides = array<i32>} : memref<96x1000xf32, #tpu.memory_space<vmem>>, vector<16xf32>,
        tpu.vector_store %arg5[%parallel_loop3A_532, %parallel_loop3A_533], %parallel_loop3A_531 {strides = array<i32>} : memref<96x1000xf32, #tpu.memory_space<vmem>>, vector<16xf32>,
        %parallel_loop3A_535 = arith.index_cast %parallel_loop3A_213 : i32 to index
        %parallel_loop3A_536 = arith.constant 720 : index
        %parallel_loop3A_537 = tpu.vector_load %arg5[%parallel_loop3A_535, %parallel_loop3A_536] {strides = array<i32>} : memref<96x1000xf32, #tpu.memory_space<vmem>>, vector<16xf32>,
        %parallel_loop3A_538 = arith.mulf %parallel_loop3A_537, %broadcast_in_dim3A_3 : vector<16xf32>
        %parallel_loop3A_539 = arith.index_cast %parallel_loop3A_213 : i32 to index
        %parallel_loop3A_540 = arith.constant 720 : index
        %parallel_loop3A_541 = tpu.vector_load %arg5[%parallel_loop3A_539, %parallel_loop3A_540] {strides = array<i32>} : memref<96x1000xf32, #tpu.memory_space<vmem>>, vector<16xf32>,
        tpu.vector_store %arg5[%parallel_loop3A_539, %parallel_loop3A_540], %parallel_loop3A_538 {strides = array<i32>} : memref<96x1000xf32, #tpu.memory_space<vmem>>, vector<16xf32>,
        %parallel_loop3A_542 = arith.index_cast %parallel_loop3A_213 : i32 to index
        %parallel_loop3A_543 = arith.constant 736 : index
        %parallel_loop3A_544 = tpu.vector_load %arg5[%parallel_loop3A_542, %parallel_loop3A_543] {strides = array<i32>} : memref<96x1000xf32, #tpu.memory_space<vmem>>, vector<16xf32>,
        %parallel_loop3A_545 = arith.mulf %parallel_loop3A_544, %broadcast_in_dim3A_3 : vector<16xf32>
        %parallel_loop3A_546 = arith.index_cast %parallel_loop3A_213 : i32 to index
        %parallel_loop3A_547 = arith.constant 736 : index
        %parallel_loop3A_548 = tpu.vector_load %arg5[%parallel_loop3A_546, %parallel_loop3A_547] {strides = array<i32>} : memref<96x1000xf32, #tpu.memory_space<vmem>>, vector<16xf32>,
        tpu.vector_store %arg5[%parallel_loop3A_546, %parallel_loop3A_547], %parallel_loop3A_545 {strides = array<i32>} : memref<96x1000xf32, #tpu.memory_space<vmem>>, vector<16xf32>,
        %parallel_loop3A_549 = arith.index_cast %parallel_loop3A_213 : i32 to index
        %parallel_loop3A_550 = arith.constant 752 : index
        %parallel_loop3A_551 = tpu.vector_load %arg5[%parallel_loop3A_549, %parallel_loop3A_550] {strides = array<i32>} : memref<96x1000xf32, #tpu.memory_space<vmem>>, vector<16xf32>,
        %parallel_loop3A_552 = arith.mulf %parallel_loop3A_551, %broadcast_in_dim3A_3 : vector<16xf32>
        %parallel_loop3A_553 = arith.index_cast %parallel_loop3A_213 : i32 to index
        %parallel_loop3A_554 = arith.constant 752 : index
        %parallel_loop3A_555 = tpu.vector_load %arg5[%parallel_loop3A_553, %parallel_loop3A_554] {strides = array<i32>} : memref<96x1000xf32, #tpu.memory_space<vmem>>, vector<16xf32>,
        tpu.vector_store %arg5[%parallel_loop3A_553, %parallel_loop3A_554], %parallel_loop3A_552 {strides = array<i32>} : memref<96x1000xf32, #tpu.memory_space<vmem>>, vector<16xf32>,
        %parallel_loop3A_556 = arith.index_cast %parallel_loop3A_213 : i32 to index
        %parallel_loop3A_557 = arith.constant 768 : index
        %parallel_loop3A_558 = tpu.vector_load %arg5[%parallel_loop3A_556, %parallel_loop3A_557] {strides = array<i32>} : memref<96x1000xf32, #tpu.memory_space<vmem>>, vector<16xf32>,
        %parallel_loop3A_559 = arith.mulf %parallel_loop3A_558, %broadcast_in_dim3A_3 : vector<16xf32>
        %parallel_loop3A_560 = arith.index_cast %parallel_loop3A_213 : i32 to index
        %parallel_loop3A_561 = arith.constant 768 : index
        %parallel_loop3A_562 = tpu.vector_load %arg5[%parallel_loop3A_560, %parallel_loop3A_561] {strides = array<i32>} : memref<96x1000xf32, #tpu.memory_space<vmem>>, vector<16xf32>,
        tpu.vector_store %arg5[%parallel_loop3A_560, %parallel_loop3A_561], %parallel_loop3A_559 {strides = array<i32>} : memref<96x1000xf32, #tpu.memory_space<vmem>>, vector<16xf32>,
        %parallel_loop3A_563 = arith.index_cast %parallel_loop3A_213 : i32 to index
        %parallel_loop3A_564 = arith.constant 784 : index
        %parallel_loop3A_565 = tpu.vector_load %arg5[%parallel_loop3A_563, %parallel_loop3A_564] {strides = array<i32>} : memref<96x1000xf32, #tpu.memory_space<vmem>>, vector<16xf32>,
        %parallel_loop3A_566 = arith.mulf %parallel_loop3A_565, %broadcast_in_dim3A_3 : vector<16xf32>
        %parallel_loop3A_567 = arith.index_cast %parallel_loop3A_213 : i32 to index
        %parallel_loop3A_568 = arith.constant 784 : index
        %parallel_loop3A_569 = tpu.vector_load %arg5[%parallel_loop3A_567, %parallel_loop3A_568] {strides = array<i32>} : memref<96x1000xf32, #tpu.memory_space<vmem>>, vector<16xf32>,
        tpu.vector_store %arg5[%parallel_loop3A_567, %parallel_loop3A_568], %parallel_loop3A_566 {strides = array<i32>} : memref<96x1000xf32, #tpu.memory_space<vmem>>, vector<16xf32>,
        %parallel_loop3A_570 = arith.index_cast %parallel_loop3A_213 : i32 to index
        %parallel_loop3A_571 = arith.constant 800 : index
        %parallel_loop3A_572 = tpu.vector_load %arg5[%parallel_loop3A_570, %parallel_loop3A_571] {strides = array<i32>} : memref<96x1000xf32, #tpu.memory_space<vmem>>, vector<16xf32>,
        %parallel_loop3A_573 = arith.mulf %parallel_loop3A_572, %broadcast_in_dim3A_3 : vector<16xf32>
        %parallel_loop3A_574 = arith.index_cast %parallel_loop3A_213 : i32 to index
        %parallel_loop3A_575 = arith.constant 800 : index
        %parallel_loop3A_576 = tpu.vector_load %arg5[%parallel_loop3A_574, %parallel_loop3A_575] {strides = array<i32>} : memref<96x1000xf32, #tpu.memory_space<vmem>>, vector<16xf32>,
        tpu.vector_store %arg5[%parallel_loop3A_574, %parallel_loop3A_575], %parallel_loop3A_573 {strides = array<i32>} : memref<96x1000xf32, #tpu.memory_space<vmem>>, vector<16xf32>,
        %parallel_loop3A_577 = arith.index_cast %parallel_loop3A_213 : i32 to index
        %parallel_loop3A_578 = arith.constant 816 : index
        %parallel_loop3A_579 = tpu.vector_load %arg5[%parallel_loop3A_577, %parallel_loop3A_578] {strides = array<i32>} : memref<96x1000xf32, #tpu.memory_space<vmem>>, vector<16xf32>,
        %parallel_loop3A_580 = arith.mulf %parallel_loop3A_579, %broadcast_in_dim3A_3 : vector<16xf32>
        %parallel_loop3A_581 = arith.index_cast %parallel_loop3A_213 : i32 to index
        %parallel_loop3A_582 = arith.constant 816 : index
        %parallel_loop3A_583 = tpu.vector_load %arg5[%parallel_loop3A_581, %parallel_loop3A_582] {strides = array<i32>} : memref<96x1000xf32, #tpu.memory_space<vmem>>, vector<16xf32>,
        tpu.vector_store %arg5[%parallel_loop3A_581, %parallel_loop3A_582], %parallel_loop3A_580 {strides = array<i32>} : memref<96x1000xf32, #tpu.memory_space<vmem>>, vector<16xf32>,
        %parallel_loop3A_584 = arith.index_cast %parallel_loop3A_213 : i32 to index
        %parallel_loop3A_585 = arith.constant 832 : index
        %parallel_loop3A_586 = tpu.vector_load %arg5[%parallel_loop3A_584, %parallel_loop3A_585] {strides = array<i32>} : memref<96x1000xf32, #tpu.memory_space<vmem>>, vector<16xf32>,
        %parallel_loop3A_587 = arith.mulf %parallel_loop3A_586, %broadcast_in_dim3A_3 : vector<16xf32>
        %parallel_loop3A_588 = arith.index_cast %parallel_loop3A_213 : i32 to index
        %parallel_loop3A_589 = arith.constant 832 : index
        %parallel_loop3A_590 = tpu.vector_load %arg5[%parallel_loop3A_588, %parallel_loop3A_589] {strides = array<i32>} : memref<96x1000xf32, #tpu.memory_space<vmem>>, vector<16xf32>,
        tpu.vector_store %arg5[%parallel_loop3A_588, %parallel_loop3A_589], %parallel_loop3A_587 {strides = array<i32>} : memref<96x1000xf32, #tpu.memory_space<vmem>>, vector<16xf32>,
        %parallel_loop3A_591 = arith.index_cast %parallel_loop3A_213 : i32 to index
        %parallel_loop3A_592 = arith.constant 848 : index
        %parallel_loop3A_593 = tpu.vector_load %arg5[%parallel_loop3A_591, %parallel_loop3A_592] {strides = array<i32>} : memref<96x1000xf32, #tpu.memory_space<vmem>>, vector<16xf32>,
        %parallel_loop3A_594 = arith.mulf %parallel_loop3A_593, %broadcast_in_dim3A_3 : vector<16xf32>
        %parallel_loop3A_595 = arith.index_cast %parallel_loop3A_213 : i32 to index
        %parallel_loop3A_596 = arith.constant 848 : index
        %parallel_loop3A_597 = tpu.vector_load %arg5[%parallel_loop3A_595, %parallel_loop3A_596] {strides = array<i32>} : memref<96x1000xf32, #tpu.memory_space<vmem>>, vector<16xf32>,
        tpu.vector_store %arg5[%parallel_loop3A_595, %parallel_loop3A_596], %parallel_loop3A_594 {strides = array<i32>} : memref<96x1000xf32, #tpu.memory_space<vmem>>, vector<16xf32>,
        %parallel_loop3A_598 = arith.index_cast %parallel_loop3A_213 : i32 to index
        %parallel_loop3A_599 = arith.constant 864 : index
        %parallel_loop3A_600 = tpu.vector_load %arg5[%parallel_loop3A_598, %parallel_loop3A_599] {strides = array<i32>} : memref<96x1000xf32, #tpu.memory_space<vmem>>, vector<16xf32>,
        %parallel_loop3A_601 = arith.mulf %parallel_loop3A_600, %broadcast_in_dim3A_3 : vector<16xf32>
        %parallel_loop3A_602 = arith.index_cast %parallel_loop3A_213 : i32 to index
        %parallel_loop3A_603 = arith.constant 864 : index
        %parallel_loop3A_604 = tpu.vector_load %arg5[%parallel_loop3A_602, %parallel_loop3A_603] {strides = array<i32>} : memref<96x1000xf32, #tpu.memory_space<vmem>>, vector<16xf32>,
        tpu.vector_store %arg5[%parallel_loop3A_602, %parallel_loop3A_603], %parallel_loop3A_601 {strides = array<i32>} : memref<96x1000xf32, #tpu.memory_space<vmem>>, vector<16xf32>,
        %parallel_loop3A_605 = arith.index_cast %parallel_loop3A_213 : i32 to index
        %parallel_loop3A_606 = arith.constant 880 : index
        %parallel_loop3A_607 = tpu.vector_load %arg5[%parallel_loop3A_605, %parallel_loop3A_606] {strides = array<i32>} : memref<96x1000xf32, #tpu.memory_space<vmem>>, vector<16xf32>,
        %parallel_loop3A_608 = arith.mulf %parallel_loop3A_607, %broadcast_in_dim3A_3 : vector<16xf32>
        %parallel_loop3A_609 = arith.index_cast %parallel_loop3A_213 : i32 to index
        %parallel_loop3A_610 = arith.constant 880 : index
        %parallel_loop3A_611 = tpu.vector_load %arg5[%parallel_loop3A_609, %parallel_loop3A_610] {strides = array<i32>} : memref<96x1000xf32, #tpu.memory_space<vmem>>, vector<16xf32>,
        tpu.vector_store %arg5[%parallel_loop3A_609, %parallel_loop3A_610], %parallel_loop3A_608 {strides = array<i32>} : memref<96x1000xf32, #tpu.memory_space<vmem>>, vector<16xf32>,
        %parallel_loop3A_612 = arith.index_cast %parallel_loop3A_213 : i32 to index
        %parallel_loop3A_613 = arith.constant 896 : index
        %parallel_loop3A_614 = tpu.vector_load %arg5[%parallel_loop3A_612, %parallel_loop3A_613] {strides = array<i32>} : memref<96x1000xf32, #tpu.memory_space<vmem>>, vector<16xf32>,
        %parallel_loop3A_615 = arith.mulf %parallel_loop3A_614, %broadcast_in_dim3A_3 : vector<16xf32>
        %parallel_loop3A_616 = arith.index_cast %parallel_loop3A_213 : i32 to index
        %parallel_loop3A_617 = arith.constant 896 : index
        %parallel_loop3A_618 = tpu.vector_load %arg5[%parallel_loop3A_616, %parallel_loop3A_617] {strides = array<i32>} : memref<96x1000xf32, #tpu.memory_space<vmem>>, vector<16xf32>,
        tpu.vector_store %arg5[%parallel_loop3A_616, %parallel_loop3A_617], %parallel_loop3A_615 {strides = array<i32>} : memref<96x1000xf32, #tpu.memory_space<vmem>>, vector<16xf32>,
        %parallel_loop3A_619 = arith.index_cast %parallel_loop3A_213 : i32 to index
        %parallel_loop3A_620 = arith.constant 912 : index
        %parallel_loop3A_621 = tpu.vector_load %arg5[%parallel_loop3A_619, %parallel_loop3A_620] {strides = array<i32>} : memref<96x1000xf32, #tpu.memory_space<vmem>>, vector<16xf32>,
        %parallel_loop3A_622 = arith.mulf %parallel_loop3A_621, %broadcast_in_dim3A_3 : vector<16xf32>
        %parallel_loop3A_623 = arith.index_cast %parallel_loop3A_213 : i32 to index
        %parallel_loop3A_624 = arith.constant 912 : index
        %parallel_loop3A_625 = tpu.vector_load %arg5[%parallel_loop3A_623, %parallel_loop3A_624] {strides = array<i32>} : memref<96x1000xf32, #tpu.memory_space<vmem>>, vector<16xf32>,
        tpu.vector_store %arg5[%parallel_loop3A_623, %parallel_loop3A_624], %parallel_loop3A_622 {strides = array<i32>} : memref<96x1000xf32, #tpu.memory_space<vmem>>, vector<16xf32>,
        %parallel_loop3A_626 = arith.index_cast %parallel_loop3A_213 : i32 to index
        %parallel_loop3A_627 = arith.constant 928 : index
        %parallel_loop3A_628 = tpu.vector_load %arg5[%parallel_loop3A_626, %parallel_loop3A_627] {strides = array<i32>} : memref<96x1000xf32, #tpu.memory_space<vmem>>, vector<16xf32>,
        %parallel_loop3A_629 = arith.mulf %parallel_loop3A_628, %broadcast_in_dim3A_3 : vector<16xf32>
        %parallel_loop3A_630 = arith.index_cast %parallel_loop3A_213 : i32 to index
        %parallel_loop3A_631 = arith.constant 928 : index
        %parallel_loop3A_632 = tpu.vector_load %arg5[%parallel_loop3A_630, %parallel_loop3A_631] {strides = array<i32>} : memref<96x1000xf32, #tpu.memory_space<vmem>>, vector<16xf32>,
        tpu.vector_store %arg5[%parallel_loop3A_630, %parallel_loop3A_631], %parallel_loop3A_629 {strides = array<i32>} : memref<96x1000xf32, #tpu.memory_space<vmem>>, vector<16xf32>,
        %parallel_loop3A_633 = arith.index_cast %parallel_loop3A_213 : i32 to index
        %parallel_loop3A_634 = arith.constant 944 : index
        %parallel_loop3A_635 = tpu.vector_load %arg5[%parallel_loop3A_633, %parallel_loop3A_634] {strides = array<i32>} : memref<96x1000xf32, #tpu.memory_space<vmem>>, vector<16xf32>,
        %parallel_loop3A_636 = arith.mulf %parallel_loop3A_635, %broadcast_in_dim3A_3 : vector<16xf32>
        %parallel_loop3A_637 = arith.index_cast %parallel_loop3A_213 : i32 to index
        %parallel_loop3A_638 = arith.constant 944 : index
        %parallel_loop3A_639 = tpu.vector_load %arg5[%parallel_loop3A_637, %parallel_loop3A_638] {strides = array<i32>} : memref<96x1000xf32, #tpu.memory_space<vmem>>, vector<16xf32>,
        tpu.vector_store %arg5[%parallel_loop3A_637, %parallel_loop3A_638], %parallel_loop3A_636 {strides = array<i32>} : memref<96x1000xf32, #tpu.memory_space<vmem>>, vector<16xf32>,
        %parallel_loop3A_640 = arith.index_cast %parallel_loop3A_213 : i32 to index
        %parallel_loop3A_641 = arith.constant 960 : index
        %parallel_loop3A_642 = tpu.vector_load %arg5[%parallel_loop3A_640, %parallel_loop3A_641] {strides = array<i32>} : memref<96x1000xf32, #tpu.memory_space<vmem>>, vector<16xf32>,
        %parallel_loop3A_643 = arith.mulf %parallel_loop3A_642, %broadcast_in_dim3A_3 : vector<16xf32>
        %parallel_loop3A_644 = arith.index_cast %parallel_loop3A_213 : i32 to index
        %parallel_loop3A_645 = arith.constant 960 : index
        %parallel_loop3A_646 = tpu.vector_load %arg5[%parallel_loop3A_644, %parallel_loop3A_645] {strides = array<i32>} : memref<96x1000xf32, #tpu.memory_space<vmem>>, vector<16xf32>,
        tpu.vector_store %arg5[%parallel_loop3A_644, %parallel_loop3A_645], %parallel_loop3A_643 {strides = array<i32>} : memref<96x1000xf32, #tpu.memory_space<vmem>>, vector<16xf32>,
        %parallel_loop3A_647 = arith.index_cast %parallel_loop3A_213 : i32 to index
        %parallel_loop3A_648 = arith.constant 976 : index
        %parallel_loop3A_649 = tpu.vector_load %arg5[%parallel_loop3A_647, %parallel_loop3A_648] {strides = array<i32>} : memref<96x1000xf32, #tpu.memory_space<vmem>>, vector<16xf32>,
        %parallel_loop3A_650 = arith.mulf %parallel_loop3A_649, %broadcast_in_dim3A_3 : vector<16xf32>
        %parallel_loop3A_651 = arith.index_cast %parallel_loop3A_213 : i32 to index
        %parallel_loop3A_652 = arith.constant 976 : index
        %parallel_loop3A_653 = tpu.vector_load %arg5[%parallel_loop3A_651, %parallel_loop3A_652] {strides = array<i32>} : memref<96x1000xf32, #tpu.memory_space<vmem>>, vector<16xf32>,
        tpu.vector_store %arg5[%parallel_loop3A_651, %parallel_loop3A_652], %parallel_loop3A_650 {strides = array<i32>} : memref<96x1000xf32, #tpu.memory_space<vmem>>, vector<16xf32>,
        %parallel_loop3A_654 = arith.index_cast %parallel_loop3A_213 : i32 to index
        %parallel_loop3A_655 = arith.constant 0 : index
        %parallel_loop3A_656 = tpu.vector_load %arg6[%parallel_loop3A_654, %parallel_loop3A_655] {strides = array<i32>} : memref<96x200xi32, #tpu.memory_space<vmem>>, vector<16xi32>,
        tpu.vector_store_idx %arg5[%parallel_loop3A_215, %parallel_loop3A_656], %broadcast_in_dim3A_5 : memref<96x1000xf32, #tpu.memory_space<vmem>>[vector<16xi32>, vector<16xi32>], vector<16xf32>,
        %parallel_loop3A_657 = arith.index_cast %parallel_loop3A_213 : i32 to index
        %parallel_loop3A_658 = arith.constant 16 : index
        %parallel_loop3A_659 = tpu.vector_load %arg6[%parallel_loop3A_657, %parallel_loop3A_658] {strides = array<i32>} : memref<96x200xi32, #tpu.memory_space<vmem>>, vector<16xi32>,
        tpu.vector_store_idx %arg5[%parallel_loop3A_215, %parallel_loop3A_659], %broadcast_in_dim3A_5 : memref<96x1000xf32, #tpu.memory_space<vmem>>[vector<16xi32>, vector<16xi32>], vector<16xf32>,
        %parallel_loop3A_660 = arith.index_cast %parallel_loop3A_213 : i32 to index
        %parallel_loop3A_661 = arith.constant 32 : index
        %parallel_loop3A_662 = tpu.vector_load %arg6[%parallel_loop3A_660, %parallel_loop3A_661] {strides = array<i32>} : memref<96x200xi32, #tpu.memory_space<vmem>>, vector<16xi32>,
        tpu.vector_store_idx %arg5[%parallel_loop3A_215, %parallel_loop3A_662], %broadcast_in_dim3A_5 : memref<96x1000xf32, #tpu.memory_space<vmem>>[vector<16xi32>, vector<16xi32>], vector<16xf32>,
        %parallel_loop3A_663 = arith.index_cast %parallel_loop3A_213 : i32 to index
        %parallel_loop3A_664 = arith.constant 48 : index
        %parallel_loop3A_665 = tpu.vector_load %arg6[%parallel_loop3A_663, %parallel_loop3A_664] {strides = array<i32>} : memref<96x200xi32, #tpu.memory_space<vmem>>, vector<16xi32>,
        tpu.vector_store_idx %arg5[%parallel_loop3A_215, %parallel_loop3A_665], %broadcast_in_dim3A_5 : memref<96x1000xf32, #tpu.memory_space<vmem>>[vector<16xi32>, vector<16xi32>], vector<16xf32>,
        %parallel_loop3A_666 = arith.index_cast %parallel_loop3A_213 : i32 to index
        %parallel_loop3A_667 = arith.constant 64 : index
        %parallel_loop3A_668 = tpu.vector_load %arg6[%parallel_loop3A_666, %parallel_loop3A_667] {strides = array<i32>} : memref<96x200xi32, #tpu.memory_space<vmem>>, vector<16xi32>,
        tpu.vector_store_idx %arg5[%parallel_loop3A_215, %parallel_loop3A_668], %broadcast_in_dim3A_5 : memref<96x1000xf32, #tpu.memory_space<vmem>>[vector<16xi32>, vector<16xi32>], vector<16xf32>,
        %parallel_loop3A_669 = arith.index_cast %parallel_loop3A_213 : i32 to index
        %parallel_loop3A_670 = arith.constant 80 : index
        %parallel_loop3A_671 = tpu.vector_load %arg6[%parallel_loop3A_669, %parallel_loop3A_670] {strides = array<i32>} : memref<96x200xi32, #tpu.memory_space<vmem>>, vector<16xi32>,
        tpu.vector_store_idx %arg5[%parallel_loop3A_215, %parallel_loop3A_671], %broadcast_in_dim3A_5 : memref<96x1000xf32, #tpu.memory_space<vmem>>[vector<16xi32>, vector<16xi32>], vector<16xf32>,
        %parallel_loop3A_672 = arith.index_cast %parallel_loop3A_213 : i32 to index
        %parallel_loop3A_673 = arith.constant 96 : index
        %parallel_loop3A_674 = tpu.vector_load %arg6[%parallel_loop3A_672, %parallel_loop3A_673] {strides = array<i32>} : memref<96x200xi32, #tpu.memory_space<vmem>>, vector<16xi32>,
        tpu.vector_store_idx %arg5[%parallel_loop3A_215, %parallel_loop3A_674], %broadcast_in_dim3A_5 : memref<96x1000xf32, #tpu.memory_space<vmem>>[vector<16xi32>, vector<16xi32>], vector<16xf32>,
        %parallel_loop3A_675 = arith.index_cast %parallel_loop3A_213 : i32 to index
        %parallel_loop3A_676 = arith.constant 112 : index
        %parallel_loop3A_677 = tpu.vector_load %arg6[%parallel_loop3A_675, %parallel_loop3A_676] {strides = array<i32>} : memref<96x200xi32, #tpu.memory_space<vmem>>, vector<16xi32>,
        tpu.vector_store_idx %arg5[%parallel_loop3A_215, %parallel_loop3A_677], %broadcast_in_dim3A_5 : memref<96x1000xf32, #tpu.memory_space<vmem>>[vector<16xi32>, vector<16xi32>], vector<16xf32>,
        %parallel_loop3A_678 = arith.index_cast %parallel_loop3A_213 : i32 to index
        %parallel_loop3A_679 = arith.constant 128 : index
        %parallel_loop3A_680 = tpu.vector_load %arg6[%parallel_loop3A_678, %parallel_loop3A_679] {strides = array<i32>} : memref<96x200xi32, #tpu.memory_space<vmem>>, vector<16xi32>,
        tpu.vector_store_idx %arg5[%parallel_loop3A_215, %parallel_loop3A_680], %broadcast_in_dim3A_5 : memref<96x1000xf32, #tpu.memory_space<vmem>>[vector<16xi32>, vector<16xi32>], vector<16xf32>,
        %parallel_loop3A_681 = arith.index_cast %parallel_loop3A_213 : i32 to index
        %parallel_loop3A_682 = arith.constant 144 : index
        %parallel_loop3A_683 = tpu.vector_load %arg6[%parallel_loop3A_681, %parallel_loop3A_682] {strides = array<i32>} : memref<96x200xi32, #tpu.memory_space<vmem>>, vector<16xi32>,
        tpu.vector_store_idx %arg5[%parallel_loop3A_215, %parallel_loop3A_683], %broadcast_in_dim3A_5 : memref<96x1000xf32, #tpu.memory_space<vmem>>[vector<16xi32>, vector<16xi32>], vector<16xf32>,
        %parallel_loop3A_684 = arith.index_cast %parallel_loop3A_213 : i32 to index
        %parallel_loop3A_685 = arith.constant 160 : index
        %parallel_loop3A_686 = tpu.vector_load %arg6[%parallel_loop3A_684, %parallel_loop3A_685] {strides = array<i32>} : memref<96x200xi32, #tpu.memory_space<vmem>>, vector<16xi32>,
        tpu.vector_store_idx %arg5[%parallel_loop3A_215, %parallel_loop3A_686], %broadcast_in_dim3A_5 : memref<96x1000xf32, #tpu.memory_space<vmem>>[vector<16xi32>, vector<16xi32>], vector<16xf32>,
        %parallel_loop3A_687 = arith.index_cast %parallel_loop3A_213 : i32 to index
        %parallel_loop3A_688 = arith.constant 176 : index
        %parallel_loop3A_689 = tpu.vector_load %arg6[%parallel_loop3A_687, %parallel_loop3A_688] {strides = array<i32>} : memref<96x200xi32, #tpu.memory_space<vmem>>, vector<16xi32>,
        tpu.vector_store_idx %arg5[%parallel_loop3A_215, %parallel_loop3A_689], %broadcast_in_dim3A_5 : memref<96x1000xf32, #tpu.memory_space<vmem>>[vector<16xi32>, vector<16xi32>], vector<16xf32>,
        %parallel_loop3A_690 = arith.index_cast %parallel_loop3A_213 : i32 to index
        %parallel_loop3A_691 = arith.constant 184 : index
        %parallel_loop3A_692 = tpu.vector_load %arg6[%parallel_loop3A_690, %parallel_loop3A_691] {strides = array<i32>} : memref<96x200xi32, #tpu.memory_space<vmem>>, vector<16xi32>,
        tpu.vector_store_idx %arg5[%parallel_loop3A_215, %parallel_loop3A_692], %broadcast_in_dim3A_5 : memref<96x1000xf32, #tpu.memory_space<vmem>>[vector<16xi32>, vector<16xi32>], vector<16xf32>,
      } {sc.loop_unroll_factor = 1 : i64, sc.parallel_access}
      %jit3A_179 = arith.constant 3 : i32
      %eq3A_180 = arith.constant 0 : i32
      %eq3A_181 = arith.cmpi eq, %jit3A_179, %eq3A_180 : i32
      %jit3A_182 = arith.constant 1 : i32
      %select_n3A_183 = arith.select %eq3A_181, %jit3A_182, %jit3A_179 : i32
      %rem3A_184 = arith.remsi %scan3A_117, %select_n3A_183 : i32
      %ne3A_185 = arith.constant 0 : i32
      %ne3A_186 = arith.cmpi ne, %rem3A_184, %ne3A_185 : i32
      %lt3A_187 = arith.constant 0 : i32
      %lt3A_188 = arith.cmpi slt, %rem3A_184, %lt3A_187 : i32
      %lt3A_189 = arith.constant 0 : i32
      %lt3A_190 = arith.cmpi slt, %select_n3A_183, %lt3A_189 : i32
      %ne3A_191 = arith.xori %lt3A_188, %lt3A_190 : i1
      %and3A_192 = arith.andi %ne3A_191, %ne3A_186 : i1
      %add3A_193 = arith.addi %rem3A_184, %select_n3A_183 : i32
      %select_n3A_194 = arith.select %and3A_192, %add3A_193, %rem3A_184 : i32
      %mul3A_195 = arith.constant 32 : i32
      %mul3A_196 = arith.muli %scan3A_117, %mul3A_195 : i32
      %add3A_197 = arith.addi %mul3A_2, %mul3A_196 : i32
      %mul3A_198 = arith.constant 32 : i32
      %mul3A_199 = arith.muli %select_n3A_194, %mul3A_198 : i32
      %mul3A_200 = arith.constant 32 : i32
      %mul3A_201 = arith.muli %select_n3A_194, %mul3A_200 : i32
      %dma_start3A_202 = arith.constant 0 : i32
      %dma_start3A_203 = tpu.memref_slice %arg5[%mul3A_199, %dma_start3A_202] : memref<96x1000xf32, #tpu.memory_space<vmem>> -> memref<32x1000xf32, #tpu.memory_space<vmem>>
      %dma_start3A_204 = arith.constant 0 : i32
      %dma_start3A_205 = tpu.memref_slice %arg4[%add3A_197, %dma_start3A_204] : memref<16384x1000xf32, #tpu.memory_space<hbm>> -> memref<32x1000xf32, #tpu.memory_space<hbm>>
      %dma_start3A_206 = tpu.memref_slice %arg9[%select_n3A_194] : memref<3x!tpu.dma_semaphore, #tpu.memory_space<semaphore_mem>> -> memref<1x!tpu.dma_semaphore, #tpu.memory_space<semaphore_mem>>
      %dma_start3A_207 = tpu.memref_squeeze %dma_start3A_206 : memref<1x!tpu.dma_semaphore, #tpu.memory_space<semaphore_mem>> -> memref<!tpu.dma_semaphore, #tpu.memory_space<semaphore_mem>>
      %dma_start3A_208 = arith.constant 0 : i32
      %dma_start3A_209 = tpu.memref_slice %arg4[%add3A_197, %dma_start3A_208] : memref<16384x1000xf32, #tpu.memory_space<hbm>> -> memref<32x1000xf32, #tpu.memory_space<hbm>>
      %dma_start3A_210 = arith.constant 0 : i32
      %dma_start3A_211 = tpu.memref_slice %arg5[%mul3A_199, %dma_start3A_210] : memref<96x1000xf32, #tpu.memory_space<vmem>> -> memref<32x1000xf32, #tpu.memory_space<vmem>>
      tpu.enqueue_dma source(%dma_start3A_211 : memref<32x1000xf32, #tpu.memory_space<vmem>>) target(%dma_start3A_209 : memref<32x1000xf32, #tpu.memory_space<hbm>>) target_semaphore(%dma_start3A_207 : memref<!tpu.dma_semaphore, #tpu.memory_space<semaphore_mem>>)
    }
    %scan3A_72 = arith.constant 16 : i32
    %add3A_73 = arith.constant 416 : i32
    %add3A_74 = arith.addi %mul3A_2, %add3A_73 : i32
    %dma_wait3A = arith.constant 1 : i32
    %dma_wait3A_75 = arith.constant 32 : i32
    %dma_wait3A_76 = arith.constant 0 : i32
    %dma_wait3A_77 = tpu.memref_slice %arg5[%dma_wait3A_75, %dma_wait3A_76] : memref<96x1000xf32, #tpu.memory_space<vmem>> -> memref<32x1000xf32, #tpu.memory_space<vmem>>
    %dma_wait3A_78 = arith.constant 0 : i32
    %dma_wait3A_79 = tpu.memref_slice %arg4[%add3A_74, %dma_wait3A_78] : memref<16384x1000xf32, #tpu.memory_space<hbm>> -> memref<32x1000xf32, #tpu.memory_space<hbm>>
    %dma_wait3A_80 = tpu.memref_slice %arg9[%dma_wait3A] : memref<3x!tpu.dma_semaphore, #tpu.memory_space<semaphore_mem>> -> memref<1x!tpu.dma_semaphore, #tpu.memory_space<semaphore_mem>>
    %dma_wait3A_81 = tpu.memref_squeeze %dma_wait3A_80 : memref<1x!tpu.dma_semaphore, #tpu.memory_space<semaphore_mem>> -> memref<!tpu.dma_semaphore, #tpu.memory_space<semaphore_mem>>
    %dma_wait3A_82 = arith.constant 0 : i32
    %dma_wait3A_83 = tpu.memref_slice %arg4[%add3A_74, %dma_wait3A_82] : memref<16384x1000xf32, #tpu.memory_space<hbm>> -> memref<32x1000xf32, #tpu.memory_space<hbm>>
    %dma_wait3A_84 = arith.constant 32 : i32
    %dma_wait3A_85 = arith.constant 0 : i32
    %dma_wait3A_86 = tpu.memref_slice %arg5[%dma_wait3A_84, %dma_wait3A_85] : memref<96x1000xf32, #tpu.memory_space<vmem>> -> memref<32x1000xf32, #tpu.memory_space<vmem>>
    tpu.wait_dma2 semaphore(%dma_wait3A_81 : memref<!tpu.dma_semaphore, #tpu.memory_space<semaphore_mem>>) src(%dma_wait3A_86 : memref<32x1000xf32, #tpu.memory_space<vmem>>) dst(%dma_wait3A_83 : memref<32x1000xf32, #tpu.memory_space<hbm>>)
    %add3A_87 = arith.constant 448 : i32
    %add3A_88 = arith.addi %mul3A_2, %add3A_87 : i32
    %dma_wait3A_89 = arith.constant 2 : i32
    %dma_wait3A_90 = arith.constant 64 : i32
    %dma_wait3A_91 = arith.constant 0 : i32
    %dma_wait3A_92 = tpu.memref_slice %arg5[%dma_wait3A_90, %dma_wait3A_91] : memref<96x1000xf32, #tpu.memory_space<vmem>> -> memref<32x1000xf32, #tpu.memory_space<vmem>>
    %dma_wait3A_93 = arith.constant 0 : i32
    %dma_wait3A_94 = tpu.memref_slice %arg4[%add3A_88, %dma_wait3A_93] : memref<16384x1000xf32, #tpu.memory_space<hbm>> -> memref<32x1000xf32, #tpu.memory_space<hbm>>
    %dma_wait3A_95 = tpu.memref_slice %arg9[%dma_wait3A_89] : memref<3x!tpu.dma_semaphore, #tpu.memory_space<semaphore_mem>> -> memref<1x!tpu.dma_semaphore, #tpu.memory_space<semaphore_mem>>
    %dma_wait3A_96 = tpu.memref_squeeze %dma_wait3A_95 : memref<1x!tpu.dma_semaphore, #tpu.memory_space<semaphore_mem>> -> memref<!tpu.dma_semaphore, #tpu.memory_space<semaphore_mem>>
    %dma_wait3A_97 = arith.constant 0 : i32
    %dma_wait3A_98 = tpu.memref_slice %arg4[%add3A_88, %dma_wait3A_97] : memref<16384x1000xf32, #tpu.memory_space<hbm>> -> memref<32x1000xf32, #tpu.memory_space<hbm>>
    %dma_wait3A_99 = arith.constant 64 : i32
    %dma_wait3A_100 = arith.constant 0 : i32
    %dma_wait3A_101 = tpu.memref_slice %arg5[%dma_wait3A_99, %dma_wait3A_100] : memref<96x1000xf32, #tpu.memory_space<vmem>> -> memref<32x1000xf32, #tpu.memory_space<vmem>>
    tpu.wait_dma2 semaphore(%dma_wait3A_96 : memref<!tpu.dma_semaphore, #tpu.memory_space<semaphore_mem>>) src(%dma_wait3A_101 : memref<32x1000xf32, #tpu.memory_space<vmem>>) dst(%dma_wait3A_98 : memref<32x1000xf32, #tpu.memory_space<hbm>>)
    %add3A_102 = arith.constant 480 : i32
    %add3A_103 = arith.addi %mul3A_2, %add3A_102 : i32
    %dma_wait3A_104 = arith.constant 0 : i32
    %dma_wait3A_105 = arith.constant 0 : i32
    %dma_wait3A_106 = arith.constant 0 : i32
    %dma_wait3A_107 = tpu.memref_slice %arg5[%dma_wait3A_105, %dma_wait3A_106] : memref<96x1000xf32, #tpu.memory_space<vmem>> -> memref<32x1000xf32, #tpu.memory_space<vmem>>
    %dma_wait3A_108 = arith.constant 0 : i32
    %dma_wait3A_109 = tpu.memref_slice %arg4[%add3A_103, %dma_wait3A_108] : memref<16384x1000xf32, #tpu.memory_space<hbm>> -> memref<32x1000xf32, #tpu.memory_space<hbm>>
    %dma_wait3A_110 = tpu.memref_slice %arg9[%dma_wait3A_104] : memref<3x!tpu.dma_semaphore, #tpu.memory_space<semaphore_mem>> -> memref<1x!tpu.dma_semaphore, #tpu.memory_space<semaphore_mem>>
    %dma_wait3A_111 = tpu.memref_squeeze %dma_wait3A_110 : memref<1x!tpu.dma_semaphore, #tpu.memory_space<semaphore_mem>> -> memref<!tpu.dma_semaphore, #tpu.memory_space<semaphore_mem>>
    %dma_wait3A_112 = arith.constant 0 : i32
    %dma_wait3A_113 = tpu.memref_slice %arg4[%add3A_103, %dma_wait3A_112] : memref<16384x1000xf32, #tpu.memory_space<hbm>> -> memref<32x1000xf32, #tpu.memory_space<hbm>>
    %dma_wait3A_114 = arith.constant 0 : i32
    %dma_wait3A_115 = arith.constant 0 : i32
    %dma_wait3A_116 = tpu.memref_slice %arg5[%dma_wait3A_114, %dma_wait3A_115] : memref<96x1000xf32, #tpu.memory_space<vmem>> -> memref<32x1000xf32, #tpu.memory_space<vmem>>
    tpu.wait_dma2 semaphore(%dma_wait3A_111 : memref<!tpu.dma_semaphore, #tpu.memory_space<semaphore_mem>>) src(%dma_wait3A_116 : memref<32x1000xf32, #tpu.memory_space<vmem>>) dst(%dma_wait3A_113 : memref<32x1000xf32, #tpu.memory_space<hbm>>)
    return
  }
}

</mosaic_0001>

<sc_bundles>
// kernel: _run.3.cloned.1.call-start
scs
__scs_entry_jumppad:
0x0: {  	(pc) =	sbr.rel $0x88, $3  }
0x1: {  	(tag) =	ssettag $0x0;
	lr =	simm.s32 $0x1  }
0x2: {  	[smem:$0x3F9F] =	sst lr;
	_ =	strace $0xD0000000  }
0x3: {  	_ = 	snop  }
0x4: {  	_ = 	snop  }
0x5: {  	_ = 	snop  }
0x6: {  	_ = 	snop  }
0x7: {  	_ = 	snop  }
__scs_overlays_trampoline_lowered:
0x8: {  	[smem:$0x3FAE] =	sst s0  }
0x9: {  	[smem:$0x3FAF] =	sst s1  }
0xa: {  	[smem:$0x3FB0] =	sst s2  }
0xb: {  	[smem:$0x3FB1] =	sst s3  }
0xc: {  	[smem:$0x3FB2] =	sst s4  }
0xd: {  	[smem:$0x3FB3] =	sst s5  }
0xe: {  	[smem:$0x3FB4] =	sst s6  }
0xf: {  	[smem:$0x3FB5] =	sst s7  }
0x10: {  	[smem:$0x3FB6] =	sst s8  }
0x11: {  	[smem:$0x3FB7] =	sst s9;
	s0 =	simm.s32 @!p0 $0x0  }
0x12: {  	s1 =	sld [smem:$0x3F9D];
	s0 =	simm.s32 @p0 $0x1  }
0x13: {  	[smem:$0x3FB8] =	sst s0;
	s0 =	simm.s32 @!p1 $0x0  }
0x14: {  	s2 =	sld [smem:$0x3F9C];
	s0 =	simm.s32 @p1 $0x1  }
0x15: {  	[smem:$0x3FB9] =	sst s0;
	s0 =	simm.s32 @!p2 $0x0  }
0x16: {  	s3 =	sld [smem:$0x3FDB];
	s0 =	simm.s32 @p2 $0x1  }
0x17: {  	s4 =	simm.s32 $0x1BF5;
	[smem:$0x3FBB] =	sst s0  }
0x18: {  	s0 =	sld [smem:$0x3F9E];
	_ =	swait.ge [sflag:s4], $0x0  }
0x19: {  	s7 =	sld [smem:$0x3F9F]  }
0x1a: {  	s8 =	sadd.s32 $0xFFFFE003, lr  }
0x1b: {  	s9 =	sadd.s32 $0xFFFFFEF7, lr;
	s5 =	simm.s32 $0xFFFFFFFF;
	p2 =	slt.u32 s8, $0xFFFFF086  }
0x1c: {  	p1 =	slt.u32 s9, $0xF7A;
	s5 =	simm.s32 @!p2 $0x0  }
0x1d: {  	s5 =	simm.s32 @p1 $0x1;
	p0 =	seq.s32 s7, s2  }
0x1e: {  	s7 =	smul.u32 @!p0 $0xF7A, s2;
	p2 =	seq.s32 @!p0 s5, $0x0  }
0x1f: {  	s9 =	smul.u32 $0xF7A, s1;
	s8 =	simm.s32 @!p0 $0x1BF5;
	p2 =	por !p2, p0  }
0x20: {  	[sflag:s8] =	ssyncset.s32 @!p0 $0xFFFFF086;
	s6 =	sadd.s32 @!p0 s3, s7;
	s7 =	simm.s32 @!p0 $0x108  }
0x21: {  	s3 =	sadd.s32 s3, s9;
	s6 =	sadd.s32 @!p0 $0x88, s6;
	s7 =	simm.s32 @p2 $0x1082  }
0x22: {  	[simem:s7], [sflag:s8] =	dma.local @!p0 [hbm:s6], $0xF7A  }
0x23: {  	s9 =	sor.u32 $0xD0000000, s2;
	s6 =	simm.s32 $0x108;
	_ =	swait.ge @!p0 [sflag:s8], $0x0  }
0x24: {  	s3 =	sadd.s32 $0x88, s3;
	s6 =	simm.s32 @!p1 $0x1082;
	[sflag:s4] =	ssyncset.s32 $0xFFFFF086  }
0x25: {  	[simem:s6], [sflag:s4] =	dma.local [hbm:s3], $0xF7A  }
0x26: {  	[smem:$0x3F9F] =	sst s1;
	(tag) =	ssettag s2;
	_ =	strace s9  }
0x27: {  	s1 =	sld [smem:$0x3FAF]  }
0x28: {  	s2 =	sld [smem:$0x3FB0]  }
0x29: {  	s4 =	sld [smem:$0x3FB2]  }
0x2a: {  	p0 =	seq.s32 s5, $0x0;
	s5 =	sld [smem:$0x3FB3]  }
0x2b: {  	s6 =	sld [smem:$0x3FB4]  }
0x2c: {  	s7 =	sld [smem:$0x3FB5]  }
0x2d: {  	s3 =	simm.s32 $0x108;
	s8 =	sld [smem:$0x3FB6]  }
0x2e: {  	s3 =	simm.s32 @!p0 $0x1082;
	s9 =	sld [smem:$0x3FB7]  }
0x2f: {  	lr =	sadd.s32 s0, s3;
	s0 =	sld [smem:$0x3FAE]  }
0x30: {  	s3 =	sld [smem:$0x3FB1]  }
0x31: {  	[smem:$0x3FBA] =	sst s10  }
0x32: {  	s10 =	sld [smem:$0x3FB8];
	_ =	sdelay $0x3  }
0x33: {  	p0 =	seq.s32 s10, $0x1;
	s10 =	sld [smem:$0x3FBA];
	_ =	sdelay $0x3  }
0x34: {  	[smem:$0x3FBA] =	sst s10  }
0x35: {  	s10 =	sld [smem:$0x3FB9];
	_ =	sdelay $0x3  }
0x36: {  	p1 =	seq.s32 s10, $0x1;
	s10 =	sld [smem:$0x3FBA];
	_ =	sdelay $0x3  }
0x37: {  	[smem:$0x3FBA] =	sst s10  }
0x38: {  	s10 =	sld [smem:$0x3FBB]  }
0x39: {  	_ = 	snop;
	(pc) =	sbr.ind lr, $3  }
0x3a: {  	_ = 	snop  }
0x3b: {  	_ = 	snop  }
0x3c: {  	p2 =	seq.s32 s10, $0x1;
	s10 =	sld [smem:$0x3FBA]  }
0x3d: {  	_ =	shalt  }
0x3e: {  	_ =	shalt  }
0x3f: {  	_ =	shalt  }
0x40: {  	_ =	shalt  }
0x41: {  	_ =	shalt  }
0x42: {  	_ =	shalt  }
0x43: {  	_ =	shalt  }
0x44: {  	_ =	shalt  }
0x45: {  	_ =	shalt  }
0x46: {  	_ =	shalt  }
0x47: {  	_ =	shalt  }
0x48: {  	_ =	shalt  }
0x49: {  	_ =	shalt  }
0x4a: {  	_ =	shalt  }
0x4b: {  	_ =	shalt  }
0x4c: {  	_ =	shalt  }
0x4d: {  	_ =	shalt  }
0x4e: {  	_ =	shalt  }
0x4f: {  	_ =	shalt  }
0x50: {  	_ =	shalt  }
0x51: {  	_ =	shalt  }
0x52: {  	_ =	shalt  }
0x53: {  	_ =	shalt  }
0x54: {  	_ =	shalt  }
0x55: {  	_ =	shalt  }
0x56: {  	_ =	shalt  }
0x57: {  	_ =	shalt  }
0x58: {  	_ =	shalt  }
0x59: {  	_ =	shalt  }
0x5a: {  	_ =	shalt  }
0x5b: {  	_ =	shalt  }
0x5c: {  	_ =	shalt  }
0x5d: {  	_ =	shalt  }
0x5e: {  	_ =	shalt  }
0x5f: {  	_ =	shalt  }
0x60: {  	_ =	shalt  }
0x61: {  	_ =	shalt  }
0x62: {  	_ =	shalt  }
0x63: {  	_ =	shalt  }
0x64: {  	_ =	shalt  }
0x65: {  	_ =	shalt  }
0x66: {  	_ =	shalt  }
0x67: {  	_ =	shalt  }
0x68: {  	_ =	shalt  }
0x69: {  	_ =	shalt  }
0x6a: {  	_ =	shalt  }
0x6b: {  	_ =	shalt  }
0x6c: {  	_ =	shalt  }
0x6d: {  	_ =	shalt  }
0x6e: {  	_ =	shalt  }
0x6f: {  	_ =	shalt  }
0x70: {  	_ =	shalt  }
0x71: {  	_ =	shalt  }
0x72: {  	_ =	shalt  }
0x73: {  	_ =	shalt  }
0x74: {  	_ =	shalt  }
0x75: {  	_ =	shalt  }
0x76: {  	_ =	shalt  }
0x77: {  	_ =	shalt  }
0x78: {  	_ =	shalt  }
0x79: {  	_ =	shalt  }
0x7a: {  	_ =	shalt  }
0x7b: {  	_ =	shalt  }
0x7c: {  	_ =	shalt  }
0x7d: {  	_ =	shalt  }
0x7e: {  	_ =	shalt  }
0x7f: {  	_ =	shalt  }
0x80: {  	_ =	shalt  }
0x81: {  	_ =	shalt  }
0x82: {  	_ =	shalt  }
0x83: {  	_ =	shalt  }
0x84: {  	_ =	shalt  }
0x85: {  	_ =	shalt  }
0x86: {  	_ =	shalt  }
0x87: {  	_ =	shalt  }
.Lfunc_end0:
.L_simem_size_0:
called_computation_lowered:
.L_overlay_start_0:
0x88: {  	s2 =	sld [smem:$0x3FD9]  }
0x89: {  	s3 =	sld [smem:$0x3FFE];
	_ =	sdelay $0x1  }
0x8a: {  	s1 =	srdreg.scid  }
0x8b: {  	s0 =	sand.u32 $0x1, s1  }
0x8c: {  	s17 =	sshll.u32 s0, $0xA;
	s2 =	sadd.s32 s3, s2  }
0x8d: {  	s2 =	sadd.s32 s2, s17  }
0x8e: {  	[smem:$0x3FC6] =	sst s2  }
0x8f: {  	_ = 	snop  }
0x90: {  	s2 =	sld [smem:$0x3FD0];
	(tm) =	ssettm $0x1  }
0x91: {  	s18 =	sld [smem:$0x3FFB];
	_ =	sdelay $0x3  }
0x92: {  	_ =	strace s18  }
0x93: {  	s3 =	sld [smem:$0x3FFC];
	_ =	sdelay $0x3  }
0x94: {  	_ =	strace s3  }
0x95: {  	s3 =	sld [smem:$0x3FFD];
	_ =	sdelay $0x3  }
0x96: {  	_ =	strace s3  }
0x97: {  	_ =	strace $0x8FFFFFFF  }
0x98: {  	s19 =	sld [smem:$0x3FDB];
	_ =	sdelay $0x1  }
0x99: {  	s4 =	simm.s32 $_scs_section_size  }
0x9a: {  	s5 =	simm.s32 $_size__tile_overlayer_lowered;
	s6 =	simm.s32 $_tile_overlayer_lowered  }
0x9b: {  	s22 =	simm.s32 $0x1BFF;
	s21 =	sshll.u32 s6, $0x1;
	s3 =	sadd.s32 s4, s19  }
0x9c: {  	s7 =	simm.s32 $0x0;
	s20 =	sshll.u32 s5, $0x1;
	s5 =	sadd.s32 s21, s3  }
0x9d: {  	[timem:s7], [sflag:s22] =	dma.local [hbm:s5], s20  }
0x9e: {  	_ =	swait.ge [sflag:s22], s20  }
0x9f: {  	s4 =	ssub.s32 $0x0, s20;
	[sflag:s22] =	ssyncset.done $0x0  }
0xa0: {  	[sflag:s22] =	ssyncadd.s32 s4;
	_ =	sdelay $0x1  }
0xa1: {  	s23 =	simm.s32 $0x1B8B  }
0xa2: {  	_ =	swait.ge [sflag:s23], $0x1  }
0xa3: {  	[sflag:s23] =	ssyncset.done $0x0  }
0xa4: {  	s25 =	simm.s32 $0x1B8E;
	s24 =	sld [smem:$0x3FFE];
	[sflag:s23] =	ssyncadd.s32 $0xFFFFFFFF  }
0xa5: {  	s26 =	simm.s32 $execute0_lowered;
	[smem:$0x3FD2] =	sst s25  }
0xa6: {  	s5 =	sshll.u32 s26, $0x1;
	_ =	strace $0x80000046;
	[dreg:$0x1] =	wrdreg $0xFFFFFFFF  }
0xa7: {  	s28 =	simm.s32 $_size_execute0_lowered;
	s3 =	sadd.s32 s3, s5;
	[dreg:$0x0] =	wrdreg $0x0  }
0xa8: {  	s5 =	sshll.u32 s28, $0x1;
	[dreg:$0x2] =	wrdreg s3  }
0xa9: {  	[dreg:$0x3] =	wrdreg s5  }
0xaa: {  	[dreg:$0x4] =	wrdreg $0xC0  }
0xab: {  	_ =	task [dreg:s7], $0x5FFFF  }
0xac: {  	[dreg:$0x1] =	wrdreg $0xFFFFFFFF  }
0xad: {  	[dreg:$0x0] =	wrdreg $0x60  }
0xae: {  	[dreg:$0x2] =	wrdreg s24  }
0xaf: {  	[dreg:$0x3] =	wrdreg s2  }
0xb0: {  	[dreg:$0x4] =	wrdreg $0x9  }
0xb1: {  	_ =	task.clear_ibuf [dreg:s7], $0x5FFFF;
	_ =	strace $0x90000046  }
0xb2: {  	s29 =	simm.s32 $0x9;
	_ =	strace $0x80000048  }
0xb3: {  	_ =	swait.ge [sflag:s29], $0x1  }
0xb4: {  	[sflag:s29] =	ssyncadd.s32 $0xFFFFFFFF  }
0xb5: {  	_ =	strace $0x90000048  }
0xb6: {  	_ =	sfence  }
0xb7: {  	s30 =	sld [smem:$0x0];
	_ =	sdelay $0x2  }
0xb8: {  	s31 =	sshll.u32 s1, $0xD;
	s1 =	sshrl.u32 s1, $0x2  }
0xb9: {  	s3 =	sand.u32 $0x4000, s31;
	s1 =	sadd.s32 s1, s30  }
0xba: {  	s0 =	sor.u32 s3, s0;
	s1 =	sshll.u32 s1, $0x11  }
0xbb: {  	s0 =	sor.u32 s1, s0  }
0xbc: {  	s0 =	sadd.s32 $0x8F2B, s0  }
0xbd: {  	[sflag:s0] =	ssyncadd.remote.s32 $0x1  }
0xbe: {  	_ =	sfence.sel $0xFFFF  }
0xbf: {  	[dreg:$0x0] =	wrdreg $0xFFFFFFFF;
	(pc) =	sbr.abs _section_cstart, $3  }
0xc0: {  	[dreg:$0x1] =	wrdreg $0xFFFFFFFF  }
0xc1: {  	_ =	task.clear_ibuf [dreg:s7], $0x2FFFF;
	_ =	strace $0x9FFFFFFF  }
0xc2: {  	(tm) =	ssettm $0x7FFFFFFF  }
0xc3: {  	_ =	shalt  }
tec
execute0_lowered:
.L_overlay_start_1:
0x0: {  	(tag) =	ssettag $0x1  }
0x1: {  	s6 =	rddreg [dreg:$0x0]  }
0x2: {  	s2 =	rddreg [dreg:$0x1]  }
0x3: {  	s4 =	srdreg.scid;
	s3 =	simm.s32 $0x0;
	s1 =	stileid.u32  }
0x4: {  	s13 =	simm.s32 $0x8000;
	s14 =	simm.s32 $0x1A000;
	s15 =	simm.s32 $0x8  }
0x5: {  	s16 =	simm.s32 $0x9;
	s17 =	simm.s32 $0x7;
	s18 =	simm.s32 $0x0  }
0x6: {  	s7 =	sand.u32 $0x1, s4;
	[smem:$0x7FF] =	sst s3;
	s28 =	sshll.u32 s1, $0xA  }
0x7: {  	s5 =	sshll.u32 s7, $0x9;
	_ =	strace $0x80000047;
	s7 =	ssub.s32 $0x2, s7  }
0x8: {  	s4 =	sor.u32 s5, s28;
	s5 =	sadd.s32 $0x400, s6;
	s29 =	sshrl.u32 s7, $0x1  }
0x9: {  	s8 =	sshll.u32 s4, $0x7;
	s9 =	sshrl.u32 s4, $0x3;
	s11 =	ssub.s32 s7, s29  }
0xa: {  	s31 =	sshll.u32 s4, $0x5;
	s10 =	sadd.s32 s8, s6;
	s6 =	sadd.s32 s5, s8  }
0xb: {  	s30 =	sor.u32 $0x4, s9;
	s7 =	sadd.s32 s2, s31;
	s11 =	smax.u32 s11, $0x1  }
0xc: {  	v0 =	vlaneseq.u32;
	s9 =	sshll.u32 s30, $0xA;
	s12 =	sshll.u32 s30, $0x8;
	s10 =	sadd.s32 $0x200400, s10  }
0xd: {  	vm0 =	vcmask $0x3F20;
	v1 =	vimm.f32 $0.0e+00;
	v0 =	vadd.s32 $0x1C58, v0;
	s8 =	sadd.s32 s5, s9;
	s9 =	sadd.s32 s2, s12;
	s12 =	simm.s32 $0x18000  }
.LBB2_1:
0xe: {  	[tilespmem:s3], [sflag:$0x1] =	stream.linear.gather [hbm4b:s6+s3], $0x8000, $0x38;
	[tilespmem:$0x1E000] =	vst v63  }
0xf: {  	_ = 	snop  }
0x10: {  	[tilespmem:s12], [sflag:$0x4] =	stream.linear.gather [hbm4b:s7+s3], $0x2000, $0x38;
	[tilespmem:$0x1E000] =	vst v63  }
0x11: {  	_ = 	snop  }
0x12: {  	[tilespmem:s13], [sflag:$0x2] =	stream.linear.gather [hbm4b:s8+s3], $0x8000, $0x38;
	[tilespmem:$0x1E000] =	vst v63  }
0x13: {  	s19 =	simm.s32 $0x0;
	s20 =	simm.s32 $0x0  }
0x14: {  	[tilespmem:s14], [sflag:$0x5] =	stream.linear.gather [hbm4b:s9+s3], $0x2000, $0x38;
	[tilespmem:$0x1E000] =	vst v63  }
.LBB2_2:
0x15: {  	p0 =	sgt.u32 s20, $0xD  }
0x16: {  	p1 =	seq.s32 @!p0 s20, $0x0  }
0x17: {  	p1 =	por p1, p0  }
0x18: {  	s21 =	sadd.s32 @!p1 $0xFFFFFFFF, s20  }
0x19: {  	s22 =	sand.u32 @!p1 $0xFF, s21  }
0x1a: {  	s22 =	smul.u32 @!p1 $0xAB, s22  }
0x1b: {  	s23 =	sadd.s32 $0x2, s20  }
0x1c: {  	s24 =	smul.u32 @!p0 $0xAB, s23;
	s22 =	sshrl.u32 @!p1 s22, $0x9  }
0x1d: {  	s22 =	smul.u32 @!p1 $0x3, s22;
	_ =	sdelay $0x1  }
0x1e: {  	s24 =	sshrl.u32 @!p0 s24, $0x9;
	s21 =	ssub.s32 @!p1 s21, s22  }
0x1f: {  	s28 =	smul.u32 $0xAB, s20;
	s22 =	sand.u32 @!p0 $0x7F, s24;
	s21 =	sand.u32 @!p1 $0xFF, s21  }
0x20: {  	s22 =	smul.u32 @!p0 $0x3, s22;
	s21 =	sadd.s32 @!p1 $0x7, s21  }
0x21: {  	s26 =	simm.s32 @!p0 $0x0;
	s24 =	sshll.u32 @!p0 s23, $0x5;
	_ =	swait.ge @!p1 [sflag:s21], $0x8000  }
0x22: {  	s22 =	ssub.s32 @!p0 s23, s22;
	s23 =	sadd.s32 @!p0 s4, s24;
	[sflag:s21] =	ssyncset.done @!p1 $0x0  }
0x23: {  	s22 =	sand.u32 @!p0 $0xFF, s22;
	s24 =	sshll.u32 @!p0 s23, $0x7;
	[sflag:s21] =	ssyncadd.s32 @!p1 $0xFFFF8000  }
0x24: {  	s21 =	sadd.s32 @!p0 $0x1, s22;
	s24 =	sadd.s32 @!p0 s5, s24;
	s25 =	sshll.u32 @!p0 s22, $0xF  }
0x25: {  	[tilespmem:s25], [sflag:s21] =	stream.linear.gather @!p0 [hbm4b:s24+s26], $0x8000, $0x38;
	[tilespmem:$0x1E000] =	vst v63  }
0x26: {  	s23 =	sshll.u32 @!p0 s23, $0x5;
	s25 =	sshrl.u32 s28, $0x9  }
0x27: {  	s21 =	sor.u32 @!p0 $0x4, s22;
	s22 =	sshll.u32 @!p0 s22, $0xD;
	s24 =	sand.u32 $0x7F, s25  }
0x28: {  	s23 =	sadd.s32 @!p0 s2, s23;
	s22 =	sor.u32 @!p0 $0x18000, s22;
	s24 =	smul.u32 $0x3, s24  }
0x29: {  	[tilespmem:s22], [sflag:s21] =	stream.linear.gather @!p0 [hbm4b:s23+s26], $0x2000, $0x38;
	[tilespmem:$0x1E000] =	vst v63  }
0x2a: {  	s26 =	smulhi.u32 $0xAAAAAAAB, s20;
	s30 =	ssub.s32 s20, s24  }
0x2b: {  	s21 =	sand.u32 $0xFF, s30  }
0x2c: {  	s22 =	sshrl.u32 s26, $0x1;
	s31 =	sadd.s32 $0x1, s21  }
0x2d: {  	s22 =	smul.u32 $0x60, s22;
	_ =	swait.ge [sflag:s31], $0x8000  }
0x2e: {  	[sflag:s31] =	ssyncset.done $0x0  }
0x2f: {  	s0 =	sor.u32 $0x4, s21;
	s23 =	ssub.s32 s19, s22;
	[sflag:s31] =	ssyncadd.s32 $0xFFFF8000  }
0x30: {  	s26 =	simm.s32 $0x0;
	s30 =	sshll.u32 s23, $0xA;
	_ =	swait.ge [sflag:s0], $0x2000  }
0x31: {  	s22 =	sand.u32 $0x380, s26;
	v2 =	vmov s23;
	s25 =	sand.u32 $0x3FFFE000, s30;
	[sflag:s0] =	ssyncset.done $0x0  }
0x32: {  	v3 =	vshll.u32 v2, $0x7;
	s25 =	sor.u32 s22, s25;
	[sflag:s0] =	ssyncadd.s32 $0xFFFFE000  }
0x33: {  	v4 =	vshll.u32 v2, $0xA;
	v2 =	vand.u32 $0x380, v3;
	v5 =	vld [tilespmem:s25+$0x1C58]  }
0x34: {  	v3 =	vor.u32 v2, v4  }
0x35: {  	v3 =	vor.u32 v0, v3;
	_ =	sdelay $0x2  }
0x36: {  	v5 =	vmul.f32 $1.250000000e+00, v5;
	_ =	sdelay $0x1  }
0x37: {  	[tilespmem:v3+s3+$0x0] =	vst.idx.msk vm0, v5  }
0x38: {  	v3 =	vld [tilespmem:s25+$0x0]  }
0x39: {  	v5 =	vld [tilespmem:s25+$0x10]  }
0x3a: {  	v6 =	vld [tilespmem:s25+$0x20]  }
0x3b: {  	v7 =	vld [tilespmem:s25+$0x30]  }
0x3c: {  	v8 =	vld [tilespmem:s25+$0x40]  }
0x3d: {  	v9 =	vld [tilespmem:s25+$0x50];
	v3 =	vmul.f32 $1.250000000e+00, v3  }
0x3e: {  	v10 =	vld [tilespmem:s25+$0x60];
	v5 =	vmul.f32 $1.250000000e+00, v5  }
0x3f: {  	[tilespmem:s25+$0x0] =	vst v3;
	v3 =	vmul.f32 $1.250000000e+00, v6;
	v6 =	vld [tilespmem:s25+$0x70]  }
0x40: {  	[tilespmem:s25+$0x10] =	vst v5;
	v5 =	vmul.f32 $1.250000000e+00, v7;
	v7 =	vld [tilespmem:s25+$0x400]  }
0x41: {  	[tilespmem:s25+$0x20] =	vst v3;
	v3 =	vmul.f32 $1.250000000e+00, v8;
	v8 =	vld [tilespmem:s25+$0x410]  }
0x42: {  	[tilespmem:s25+$0x30] =	vst v5;
	v5 =	vmul.f32 $1.250000000e+00, v9;
	v9 =	vld [tilespmem:s25+$0x420]  }
0x43: {  	[tilespmem:s25+$0x40] =	vst v3;
	v3 =	vmul.f32 $1.250000000e+00, v10;
	v10 =	vld [tilespmem:s25+$0x430]  }
0x44: {  	[tilespmem:s25+$0x50] =	vst v5;
	v5 =	vmul.f32 $1.250000000e+00, v6;
	v6 =	vld [tilespmem:s25+$0x440]  }
0x45: {  	[tilespmem:s25+$0x60] =	vst v3;
	v3 =	vmul.f32 $1.250000000e+00, v7;
	v7 =	vld [tilespmem:s25+$0x450]  }
0x46: {  	[tilespmem:s25+$0x70] =	vst v5;
	v5 =	vmul.f32 $1.250000000e+00, v8;
	v8 =	vld [tilespmem:s25+$0x460]  }
0x47: {  	[tilespmem:s25+$0x400] =	vst v3;
	v3 =	vmul.f32 $1.250000000e+00, v9;
	v9 =	vld [tilespmem:s25+$0x470]  }
0x48: {  	[tilespmem:s25+$0x410] =	vst v5;
	v5 =	vmul.f32 $1.250000000e+00, v10;
	v10 =	vld [tilespmem:s25+$0x800]  }
0x49: {  	[tilespmem:s25+$0x420] =	vst v3;
	v3 =	vmul.f32 $1.250000000e+00, v6;
	v6 =	vld [tilespmem:s25+$0x810]  }
0x4a: {  	[tilespmem:s25+$0x430] =	vst v5;
	v5 =	vmul.f32 $1.250000000e+00, v7;
	v7 =	vld [tilespmem:s25+$0x820]  }
0x4b: {  	[tilespmem:s25+$0x440] =	vst v3;
	v3 =	vmul.f32 $1.250000000e+00, v8;
	v8 =	vld [tilespmem:s25+$0x830]  }
0x4c: {  	[tilespmem:s25+$0x450] =	vst v5;
	v5 =	vld [tilespmem:s25+$0x840];
	v9 =	vmul.f32 $1.250000000e+00, v9  }
0x4d: {  	[tilespmem:s25+$0x460] =	vst v3;
	v3 =	vld [tilespmem:s25+$0x850];
	v10 =	vmul.f32 $1.250000000e+00, v10  }
0x4e: {  	v11 =	vld [tilespmem:s25+$0x860];
	[tilespmem:s25+$0x470] =	vst v9;
	v6 =	vmul.f32 $1.250000000e+00, v6  }
0x4f: {  	v9 =	vld [tilespmem:s25+$0x870];
	[tilespmem:s25+$0x800] =	vst v10;
	v7 =	vmul.f32 $1.250000000e+00, v7  }
0x50: {  	[tilespmem:s25+$0x810] =	vst v6;
	v6 =	vmul.f32 $1.250000000e+00, v8;
	v8 =	vld [tilespmem:s25+$0xC00]  }
0x51: {  	[tilespmem:s25+$0x820] =	vst v7;
	v7 =	vld [tilespmem:s25+$0xC10];
	v5 =	vmul.f32 $1.250000000e+00, v5  }
0x52: {  	[tilespmem:s25+$0x830] =	vst v6;
	v6 =	vld [tilespmem:s25+$0xC20];
	v3 =	vmul.f32 $1.250000000e+00, v3  }
0x53: {  	v10 =	vld [tilespmem:s25+$0xC30];
	[tilespmem:s25+$0x840] =	vst v5;
	v5 =	vmul.f32 $1.250000000e+00, v11  }
0x54: {  	[tilespmem:s25+$0x850] =	vst v3;
	v3 =	vmul.f32 $1.250000000e+00, v9;
	v9 =	vld [tilespmem:s25+$0xC40]  }
0x55: {  	[tilespmem:s25+$0x860] =	vst v5;
	v5 =	vmul.f32 $1.250000000e+00, v8;
	v8 =	vld [tilespmem:s25+$0xC50]  }
0x56: {  	[tilespmem:s25+$0x870] =	vst v3;
	v3 =	vmul.f32 $1.250000000e+00, v7;
	v7 =	vld [tilespmem:s25+$0xC60]  }
0x57: {  	[tilespmem:s25+$0xC00] =	vst v5;
	v5 =	vmul.f32 $1.250000000e+00, v6;
	v6 =	vld [tilespmem:s25+$0xC70]  }
0x58: {  	[tilespmem:s25+$0xC10] =	vst v3;
	v3 =	vmul.f32 $1.250000000e+00, v10;
	v10 =	vld [tilespmem:s25+$0x1000]  }
0x59: {  	[tilespmem:s25+$0xC20] =	vst v5;
	v5 =	vld [tilespmem:s25+$0x1010];
	v9 =	vmul.f32 $1.250000000e+00, v9  }
0x5a: {  	[tilespmem:s25+$0xC30] =	vst v3;
	v3 =	vld [tilespmem:s25+$0x1020];
	v8 =	vmul.f32 $1.250000000e+00, v8  }
0x5b: {  	v11 =	vld [tilespmem:s25+$0x1030];
	[tilespmem:s25+$0xC40] =	vst v9;
	v7 =	vmul.f32 $1.250000000e+00, v7  }
0x5c: {  	[tilespmem:s25+$0xC50] =	vst v8;
	v6 =	vmul.f32 $1.250000000e+00, v6;
	v8 =	vld [tilespmem:s25+$0x1040]  }
0x5d: {  	v9 =	vld [tilespmem:s25+$0x1050];
	[tilespmem:s25+$0xC60] =	vst v7;
	v7 =	vmul.f32 $1.250000000e+00, v10  }
0x5e: {  	[tilespmem:s25+$0xC70] =	vst v6;
	v6 =	vld [tilespmem:s25+$0x1060];
	v5 =	vmul.f32 $1.250000000e+00, v5  }
0x5f: {  	[tilespmem:s25+$0x1000] =	vst v7;
	v7 =	vld [tilespmem:s25+$0x1070];
	v3 =	vmul.f32 $1.250000000e+00, v3  }
0x60: {  	v10 =	vld [tilespmem:s25+$0x1400];
	[tilespmem:s25+$0x1010] =	vst v5;
	v5 =	vmul.f32 $1.250000000e+00, v11  }
0x61: {  	[tilespmem:s25+$0x1020] =	vst v3;
	v3 =	vmul.f32 $1.250000000e+00, v8;
	v8 =	vld [tilespmem:s25+$0x1410]  }
0x62: {  	[tilespmem:s25+$0x1030] =	vst v5;
	v5 =	vmul.f32 $1.250000000e+00, v9;
	v9 =	vld [tilespmem:s25+$0x1420]  }
0x63: {  	[tilespmem:s25+$0x1040] =	vst v3;
	v3 =	vmul.f32 $1.250000000e+00, v6;
	v6 =	vld [tilespmem:s25+$0x1430]  }
0x64: {  	[tilespmem:s25+$0x1050] =	vst v5;
	v5 =	vmul.f32 $1.250000000e+00, v7;
	v7 =	vld [tilespmem:s25+$0x1440]  }
0x65: {  	[tilespmem:s25+$0x1060] =	vst v3;
	v3 =	vmul.f32 $1.250000000e+00, v10;
	v10 =	vld [tilespmem:s25+$0x1450]  }
0x66: {  	[tilespmem:s25+$0x1070] =	vst v5;
	v5 =	vld [tilespmem:s25+$0x1460];
	v8 =	vmul.f32 $1.250000000e+00, v8  }
0x67: {  	[tilespmem:s25+$0x1400] =	vst v3;
	v3 =	vld [tilespmem:s25+$0x1470];
	v9 =	vmul.f32 $1.250000000e+00, v9  }
0x68: {  	v11 =	vld [tilespmem:s25+$0x1800];
	[tilespmem:s25+$0x1410] =	vst v8;
	v6 =	vmul.f32 $1.250000000e+00, v6  }
0x69: {  	v8 =	vld [tilespmem:s25+$0x1810];
	[tilespmem:s25+$0x1420] =	vst v9;
	v7 =	vmul.f32 $1.250000000e+00, v7  }
0x6a: {  	v9 =	vld [tilespmem:s25+$0x1820];
	[tilespmem:s25+$0x1430] =	vst v6;
	v6 =	vmul.f32 $1.250000000e+00, v10  }
0x6b: {  	[tilespmem:s25+$0x1440] =	vst v7;
	v7 =	vld [tilespmem:s25+$0x1830];
	v5 =	vmul.f32 $1.250000000e+00, v5  }
0x6c: {  	[tilespmem:s25+$0x1450] =	vst v6;
	v6 =	vld [tilespmem:s25+$0x1840];
	v3 =	vmul.f32 $1.250000000e+00, v3  }
0x6d: {  	v10 =	vld [tilespmem:s25+$0x1850];
	[tilespmem:s25+$0x1460] =	vst v5;
	v5 =	vmul.f32 $1.250000000e+00, v11  }
0x6e: {  	[tilespmem:s25+$0x1470] =	vst v3;
	v3 =	vmul.f32 $1.250000000e+00, v8;
	v8 =	vld [tilespmem:s25+$0x1860]  }
0x6f: {  	[tilespmem:s25+$0x1800] =	vst v5;
	v5 =	vmul.f32 $1.250000000e+00, v9;
	v9 =	vld [tilespmem:s25+$0x1870]  }
0x70: {  	[tilespmem:s25+$0x1810] =	vst v3;
	v3 =	vmul.f32 $1.250000000e+00, v7;
	v7 =	vld [tilespmem:s25+$0x1C00]  }
0x71: {  	[tilespmem:s25+$0x1820] =	vst v5;
	v5 =	vmul.f32 $1.250000000e+00, v6;
	v6 =	vld [tilespmem:s25+$0x1C10]  }
0x72: {  	[tilespmem:s25+$0x1830] =	vst v3;
	v3 =	vmul.f32 $1.250000000e+00, v10;
	v10 =	vld [tilespmem:s25+$0x1C20]  }
0x73: {  	[tilespmem:s25+$0x1840] =	vst v5;
	v5 =	vmul.f32 $1.250000000e+00, v8;
	v8 =	vld [tilespmem:s25+$0x1C30]  }
0x74: {  	[tilespmem:s25+$0x1850] =	vst v3;
	v3 =	vmul.f32 $1.250000000e+00, v9;
	v9 =	vld [tilespmem:s25+$0x1C40]  }
0x75: {  	[tilespmem:s25+$0x1860] =	vst v5;
	v5 =	vmul.f32 $1.250000000e+00, v7;
	v7 =	vld [tilespmem:s25+$0x1C50]  }
0x76: {  	[tilespmem:s25+$0x1870] =	vst v3;
	v3 =	vmul.f32 $1.250000000e+00, v6  }
0x77: {  	s28 =	sadd.s32 $0x1, s23;
	[tilespmem:s25+$0x1C00] =	vst v5;
	v5 =	vmul.f32 $1.250000000e+00, v10  }
0x78: {  	s31 =	simm.s32 $0x80;
	s0 =	sshll.u32 s28, $0xA;
	[tilespmem:s25+$0x1C10] =	vst v3;
	v3 =	vmul.f32 $1.250000000e+00, v8  }
0x79: {  	s24 =	sand.u32 $0x380, s31;
	s26 =	sand.u32 $0x3FFFE000, s0;
	v6 =	vmov s28;
	[tilespmem:s25+$0x1C20] =	vst v5;
	v5 =	vmul.f32 $1.250000000e+00, v9  }
0x7a: {  	s23 =	sshll.u32 s23, $0x8;
	s29 =	sor.u32 s24, s26;
	[tilespmem:s25+$0x1C30] =	vst v3;
	v7 =	vmul.f32 $1.250000000e+00, v7;
	v3 =	vshll.u32 v6, $0x7  }
0x7b: {  	s23 =	sand.u32 $0x3FFFF800, s23;
	v6 =	vshll.u32 v6, $0xA;
	[tilespmem:s25+$0x1C40] =	vst v5;
	v5 =	vld [tilespmem:s29+$0x1C58];
	v3 =	vand.u32 $0x380, v3  }
0x7c: {  	s22 =	sor.u32 s22, s23;
	[tilespmem:s25+$0x1C50] =	vst v7;
	v7 =	vor.u32 v3, v6  }
0x7d: {  	v8 =	vld [tilespmem:s22+$0x18000];
	v7 =	vor.u32 v0, v7;
	_ =	sdelay $0x2  }
0x7e: {  	v5 =	vmul.f32 $1.250000000e+00, v5;
	_ =	sdelay $0x1  }
0x7f: {  	v9 =	vshll.u32 v8, $0x3;
	[tilespmem:v7+s3+$0x0] =	vst.idx.msk vm0, v5  }
0x80: {  	v4 =	vand.u32 $0x1E000, v4;
	v5 =	vand.u32 $0xFFFFFC00, v9;
	v9 =	vld [tilespmem:s29+$0x10]  }
0x81: {  	v8 =	vand.u32 $0x7F, v8;
	v7 =	vld [tilespmem:s29+$0x0];
	v5 =	vadd.s32 v4, v5  }
0x82: {  	v10 =	vld [tilespmem:s29+$0x30];
	v5 =	vor.u32 v8, v5  }
0x83: {  	v11 =	vld [tilespmem:s29+$0x40];
	v5 =	vor.u32 v2, v5  }
0x84: {  	v12 =	vld [tilespmem:s29+$0x50]  }
0x85: {  	v8 =	vld [tilespmem:s29+$0x20];
	v9 =	vmul.f32 $1.250000000e+00, v9  }
0x86: {  	v13 =	vld [tilespmem:s29+$0x60]  }
0x87: {  	v14 =	vld [tilespmem:s29+$0x70];
	[tilespmem:s29+$0x10] =	vst v9;
	v9 =	vmul.f32 $1.250000000e+00, v10  }
0x88: {  	s22 =	sadd.s32 $0x18000, s22;
	v15 =	vld [tilespmem:s29+$0x400];
	[tilespmem:v5+s3+$0x0] =	vst.idx.msk $0xffff, v1;
	v5 =	vmul.f32 $1.250000000e+00, v7  }
0x89: {  	v7 =	vld [tilespmem:s22+$0x10];
	[tilespmem:s29+$0x30] =	vst v9  }
0x8a: {  	v9 =	vmul.f32 $1.250000000e+00, v12;
	v12 =	vld [tilespmem:s29+$0x440];
	[tilespmem:s29+$0x0] =	vst v5;
	v5 =	vmul.f32 $1.250000000e+00, v8  }
0x8b: {  	v8 =	vld [tilespmem:s29+$0x410]  }
0x8c: {  	v10 =	vld [tilespmem:s29+$0x420];
	[tilespmem:s29+$0x20] =	vst v5;
	v5 =	vmul.f32 $1.250000000e+00, v11  }
0x8d: {  	[tilespmem:s29+$0x50] =	vst v9;
	v9 =	vmul.f32 $1.250000000e+00, v14;
	v11 =	vld [tilespmem:s29+$0x430]  }
0x8e: {  	v14 =	vld [tilespmem:s29+$0x460];
	v16 =	vshll.u32 v7, $0x3;
	[tilespmem:s29+$0x40] =	vst v5;
	v5 =	vmul.f32 $1.250000000e+00, v13  }
0x8f: {  	[tilespmem:s29+$0x70] =	vst v9;
	v13 =	vld [tilespmem:s29+$0x450];
	v12 =	vmul.f32 $1.250000000e+00, v12;
	v16 =	vand.u32 $0xFFFFFC00, v16  }
0x90: {  	v9 =	vld [tilespmem:s29+$0x800];
	v7 =	vand.u32 $0x7F, v7;
	v8 =	vmul.f32 $1.250000000e+00, v8;
	v16 =	vadd.s32 v4, v16;
	[tilespmem:s29+$0x60] =	vst v5  }
0x91: {  	v5 =	vmul.f32 $1.250000000e+00, v15;
	v15 =	vld [tilespmem:s29+$0x470];
	[tilespmem:s29+$0x440] =	vst v12;
	v7 =	vor.u32 v7, v16  }
0x92: {  	[tilespmem:s29+$0x410] =	vst v8;
	v8 =	vmul.f32 $1.250000000e+00, v11;
	v11 =	vld [tilespmem:s29+$0x820];
	v7 =	vor.u32 v2, v7  }
0x93: {  	[tilespmem:s29+$0x400] =	vst v5;
	v5 =	vmul.f32 $1.250000000e+00, v10;
	v10 =	vld [tilespmem:s29+$0x810]  }
0x94: {  	v16 =	vld [tilespmem:s29+$0x850];
	[tilespmem:s29+$0x430] =	vst v8;
	v13 =	vmul.f32 $1.250000000e+00, v13  }
0x95: {  	[tilespmem:s29+$0x420] =	vst v5;
	v5 =	vld [tilespmem:s29+$0x830]  }
0x96: {  	v8 =	vld [tilespmem:s29+$0x840];
	[tilespmem:s29+$0x450] =	vst v13;
	v13 =	vmul.f32 $1.250000000e+00, v15  }
0x97: {  	[tilespmem:v7+s3+$0x0] =	vst.idx.msk $0xffff, v1;
	v7 =	vmul.f32 $1.250000000e+00, v14;
	v14 =	vld [tilespmem:s29+$0x860]  }
0x98: {  	[tilespmem:s29+$0x470] =	vst v13;
	v10 =	vmul.f32 $1.250000000e+00, v10;
	v12 =	vld [tilespmem:s22+$0x20]  }
0x99: {  	[tilespmem:s29+$0x460] =	vst v7;
	v7 =	vmul.f32 $1.250000000e+00, v9;
	v9 =	vld [tilespmem:s29+$0x870]  }
0x9a: {  	[tilespmem:s29+$0x810] =	vst v10;
	v5 =	vmul.f32 $1.250000000e+00, v5;
	v10 =	vld [tilespmem:s29+$0xC20]  }
0x9b: {  	v13 =	vld [tilespmem:s29+$0xC00];
	[tilespmem:s29+$0x800] =	vst v7;
	v7 =	vmul.f32 $1.250000000e+00, v11  }
0x9c: {  	v11 =	vld [tilespmem:s29+$0xC10];
	[tilespmem:s29+$0x830] =	vst v5;
	v5 =	vmul.f32 $1.250000000e+00, v16  }
0x9d: {  	v16 =	vld [tilespmem:s29+$0xC40];
	[tilespmem:s29+$0x820] =	vst v7;
	v7 =	vmul.f32 $1.250000000e+00, v8  }
0x9e: {  	v8 =	vld [tilespmem:s29+$0xC30];
	[tilespmem:s29+$0x850] =	vst v5;
	v5 =	vmul.f32 $1.250000000e+00, v9  }
0x9f: {  	v15 =	vshll.u32 v12, $0x3;
	v9 =	vld [tilespmem:s29+$0xC60];
	v10 =	vmul.f32 $1.250000000e+00, v10;
	[tilespmem:s29+$0x840] =	vst v7  }
0xa0: {  	v15 =	vand.u32 $0xFFFFFC00, v15;
	v7 =	vmul.f32 $1.250000000e+00, v14;
	v14 =	vld [tilespmem:s29+$0xC50];
	[tilespmem:s29+$0x870] =	vst v5  }
0xa1: {  	v12 =	vand.u32 $0x7F, v12;
	v15 =	vadd.s32 v4, v15;
	v5 =	vmul.f32 $1.250000000e+00, v11;
	v11 =	vld [tilespmem:s29+$0x1000];
	[tilespmem:s29+$0xC20] =	vst v10  }
0xa2: {  	v12 =	vor.u32 v12, v15;
	v15 =	vld [tilespmem:s29+$0x1030];
	v10 =	vmul.f32 $1.250000000e+00, v16;
	[tilespmem:s29+$0x860] =	vst v7  }
0xa3: {  	v12 =	vor.u32 v2, v12;
	v7 =	vmul.f32 $1.250000000e+00, v13;
	v13 =	vld [tilespmem:s29+$0xC70];
	[tilespmem:s29+$0xC10] =	vst v5  }
0xa4: {  	v5 =	vld [tilespmem:s29+$0x1020];
	v8 =	vmul.f32 $1.250000000e+00, v8;
	[tilespmem:s29+$0xC40] =	vst v10  }
0xa5: {  	v10 =	vld [tilespmem:s29+$0x1050];
	[tilespmem:s29+$0xC00] =	vst v7;
	v9 =	vmul.f32 $1.250000000e+00, v9  }
0xa6: {  	v7 =	vld [tilespmem:s29+$0x1010];
	[tilespmem:s29+$0xC30] =	vst v8  }
0xa7: {  	v8 =	vmul.f32 $1.250000000e+00, v14;
	v14 =	vld [tilespmem:s29+$0x1040];
	[tilespmem:s29+$0xC60] =	vst v9  }
0xa8: {  	v9 =	vmul.f32 $1.250000000e+00, v11;
	v11 =	vld [tilespmem:s29+$0x1070];
	[tilespmem:v12+s3+$0x0] =	vst.idx.msk $0xffff, v1  }
0xa9: {  	[tilespmem:s29+$0xC50] =	vst v8;
	v8 =	vmul.f32 $1.250000000e+00, v13;
	v13 =	vld [tilespmem:s29+$0x1060]  }
0xaa: {  	v12 =	vld [tilespmem:s22+$0x30];
	[tilespmem:s29+$0x1000] =	vst v9;
	v5 =	vmul.f32 $1.250000000e+00, v5  }
0xab: {  	[tilespmem:s29+$0xC70] =	vst v8;
	v7 =	vmul.f32 $1.250000000e+00, v7;
	v8 =	vld [tilespmem:s29+$0x1400]  }
0xac: {  	[tilespmem:s29+$0x1020] =	vst v5;
	v5 =	vmul.f32 $1.250000000e+00, v14  }
0xad: {  	s26 =	sadd.s32 $0x1, s28;
	[tilespmem:s29+$0x1010] =	vst v7;
	v7 =	vmul.f32 $1.250000000e+00, v15;
	v15 =	vld [tilespmem:s29+$0x1420]  }
0xae: {  	s30 =	simm.s32 $0x100;
	s31 =	sshll.u32 s26, $0xA;
	v14 =	vmov s26;
	[tilespmem:s29+$0x1040] =	vst v5;
	v5 =	vmul.f32 $1.250000000e+00, v13;
	v13 =	vld [tilespmem:s29+$0x1450]  }
0xaf: {  	s23 =	sand.u32 $0x380, s30;
	s25 =	sand.u32 $0x3FFFE000, s31;
	v11 =	vmul.f32 $1.250000000e+00, v11;
	v16 =	vshll.u32 v12, $0x3;
	[tilespmem:s29+$0x1030] =	vst v7;
	v7 =	vmul.f32 $1.250000000e+00, v10;
	v10 =	vld [tilespmem:s29+$0x1440]  }
0xb0: {  	s25 =	sor.u32 s23, s25;
	v18 =	vshll.u32 v14, $0x7;
	v9 =	vand.u32 $0xFFFFFC00, v16;
	v16 =	vld [tilespmem:s29+$0x1410];
	[tilespmem:s29+$0x1060] =	vst v5;
	v8 =	vmul.f32 $1.250000000e+00, v8  }
0xb1: {  	v19 =	vld [tilespmem:s25+$0x1C58];
	v12 =	vand.u32 $0x7F, v12;
	v5 =	vand.u32 $0x380, v18;
	v9 =	vadd.s32 v4, v9;
	[tilespmem:s29+$0x1050] =	vst v7  }
0xb2: {  	v17 =	vld [tilespmem:s29+$0x1460];
	v7 =	vshll.u32 v14, $0xA;
	v9 =	vor.u32 v12, v9;
	[tilespmem:s29+$0x1400] =	vst v8;
	v8 =	vmul.f32 $1.250000000e+00, v15  }
0xb3: {  	[tilespmem:s29+$0x1070] =	vst v11;
	v11 =	vld [tilespmem:s29+$0x1470];
	v14 =	vor.u32 v5, v7;
	v9 =	vor.u32 v2, v9;
	v13 =	vmul.f32 $1.250000000e+00, v13  }
0xb4: {  	v12 =	vld [tilespmem:s29+$0x1430];
	v14 =	vor.u32 v0, v14;
	[tilespmem:s29+$0x1420] =	vst v8;
	v10 =	vmul.f32 $1.250000000e+00, v10  }
0xb5: {  	v8 =	vld [tilespmem:s29+$0x1820];
	v16 =	vmul.f32 $1.250000000e+00, v16;
	[tilespmem:s29+$0x1450] =	vst v13  }
0xb6: {  	v13 =	vld [tilespmem:s29+$0x1850];
	[tilespmem:s29+$0x1440] =	vst v10  }
0xb7: {  	v18 =	vmul.f32 $1.250000000e+00, v19;
	[tilespmem:s29+$0x1410] =	vst v16;
	v16 =	vld [tilespmem:s29+$0x1810]  }
0xb8: {  	v11 =	vmul.f32 $1.250000000e+00, v11;
	[tilespmem:v9+s3+$0x0] =	vst.idx.msk $0xffff, v1;
	v9 =	vld [tilespmem:s29+$0x1800]  }
0xb9: {  	v12 =	vmul.f32 $1.250000000e+00, v12;
	[tilespmem:v14+s3+$0x0] =	vst.idx.msk vm0, v18;
	v15 =	vld [tilespmem:s22+$0x40]  }
0xba: {  	v10 =	vmul.f32 $1.250000000e+00, v17;
	[tilespmem:s29+$0x1470] =	vst v11;
	v17 =	vld [tilespmem:s25+$0x0]  }
0xbb: {  	[tilespmem:s29+$0x1430] =	vst v12;
	v12 =	vld [tilespmem:s29+$0x1830];
	v8 =	vmul.f32 $1.250000000e+00, v8  }
0xbc: {  	[tilespmem:s29+$0x1460] =	vst v10;
	v10 =	vld [tilespmem:s25+$0x10];
	v13 =	vmul.f32 $1.250000000e+00, v13  }
0xbd: {  	v14 =	vld [tilespmem:s29+$0x1840];
	[tilespmem:s29+$0x1820] =	vst v8;
	v11 =	vmul.f32 $1.250000000e+00, v16  }
0xbe: {  	v8 =	vld [tilespmem:s25+$0x50];
	[tilespmem:s29+$0x1850] =	vst v13;
	v9 =	vmul.f32 $1.250000000e+00, v9  }
0xbf: {  	v16 =	vld [tilespmem:s25+$0x20];
	v18 =	vshll.u32 v15, $0x3;
	[tilespmem:s29+$0x1810] =	vst v11;
	v11 =	vmul.f32 $1.250000000e+00, v17  }
0xc0: {  	v12 =	vmul.f32 $1.250000000e+00, v12;
	[tilespmem:s29+$0x1800] =	vst v9;
	v9 =	vld [tilespmem:s25+$0x30];
	v18 =	vand.u32 $0xFFFFFC00, v18  }
0xc1: {  	v13 =	vld [tilespmem:s25+$0x400];
	v15 =	vand.u32 $0x7F, v15;
	v10 =	vmul.f32 $1.250000000e+00, v10;
	v18 =	vadd.s32 v4, v18;
	[tilespmem:s25+$0x0] =	vst v11  }
0xc2: {  	v14 =	vmul.f32 $1.250000000e+00, v14;
	[tilespmem:s29+$0x1830] =	vst v12;
	v12 =	vld [tilespmem:s25+$0x60];
	v15 =	vor.u32 v15, v18  }
0xc3: {  	[tilespmem:s25+$0x10] =	vst v10;
	v10 =	vld [tilespmem:s29+$0x1C00];
	v8 =	vmul.f32 $1.250000000e+00, v8;
	v11 =	vor.u32 v2, v15  }
0xc4: {  	[tilespmem:s29+$0x1840] =	vst v14;
	v18 =	vld [tilespmem:s29+$0x1860];
	v14 =	vmul.f32 $1.250000000e+00, v16  }
0xc5: {  	v17 =	vld [tilespmem:s25+$0x40];
	[tilespmem:s25+$0x50] =	vst v8;
	v9 =	vmul.f32 $1.250000000e+00, v9  }
0xc6: {  	v15 =	vld [tilespmem:s25+$0x70];
	[tilespmem:s25+$0x20] =	vst v14  }
0xc7: {  	v16 =	vld [tilespmem:s29+$0x1870];
	v12 =	vmul.f32 $1.250000000e+00, v12;
	[tilespmem:s25+$0x30] =	vst v9  }
0xc8: {  	v8 =	vmul.f32 $1.250000000e+00, v10;
	v10 =	vld [tilespmem:s25+$0x430];
	[tilespmem:v11+s3+$0x0] =	vst.idx.msk $0xffff, v1  }
0xc9: {  	v18 =	vmul.f32 $1.250000000e+00, v18;
	v9 =	vld [tilespmem:s29+$0x1C20];
	[tilespmem:s25+$0x60] =	vst v12  }
0xca: {  	v11 =	vmul.f32 $1.250000000e+00, v17;
	v17 =	vld [tilespmem:s29+$0x1C10];
	[tilespmem:s29+$0x1C00] =	vst v8  }
0xcb: {  	v15 =	vmul.f32 $1.250000000e+00, v15;
	v8 =	vld [tilespmem:s25+$0x440];
	[tilespmem:s29+$0x1860] =	vst v18  }
0xcc: {  	v14 =	vld [tilespmem:s25+$0x410];
	[tilespmem:s25+$0x40] =	vst v11;
	v11 =	vmul.f32 $1.250000000e+00, v16  }
0xcd: {  	v18 =	vld [tilespmem:s29+$0x1C30];
	[tilespmem:s25+$0x70] =	vst v15;
	v10 =	vmul.f32 $1.250000000e+00, v10  }
0xce: {  	v16 =	vld [tilespmem:s25+$0x420];
	[tilespmem:s29+$0x1870] =	vst v11;
	v9 =	vmul.f32 $1.250000000e+00, v9  }
0xcf: {  	v15 =	vld [tilespmem:s22+$0x50];
	v12 =	vmul.f32 $1.250000000e+00, v17;
	[tilespmem:s25+$0x430] =	vst v10  }
0xd0: {  	v11 =	vld [tilespmem:s29+$0x1C40];
	v8 =	vmul.f32 $1.250000000e+00, v8;
	[tilespmem:s29+$0x1C20] =	vst v9  }
0xd1: {  	v17 =	vld [tilespmem:s29+$0x1C50];
	v9 =	vmul.f32 $1.250000000e+00, v14;
	[tilespmem:s29+$0x1C10] =	vst v12  }
0xd2: {  	v12 =	vmul.f32 $1.250000000e+00, v13;
	[tilespmem:s25+$0x440] =	vst v8  }
0xd3: {  	v18 =	vmul.f32 $1.250000000e+00, v18;
	[tilespmem:s25+$0x410] =	vst v9  }
0xd4: {  	[tilespmem:s25+$0x400] =	vst v12;
	v12 =	vmul.f32 $1.250000000e+00, v16  }
0xd5: {  	[tilespmem:s29+$0x1C30] =	vst v18;
	v9 =	vmul.f32 $1.250000000e+00, v11;
	v16 =	vshll.u32 v15, $0x3  }
0xd6: {  	s28 =	sshll.u32 s28, $0x8;
	v10 =	vand.u32 $0xFFFFFC00, v16;
	[tilespmem:s25+$0x420] =	vst v12;
	v12 =	vmul.f32 $1.250000000e+00, v17  }
0xd7: {  	s28 =	sand.u32 $0x3FFFF800, s28;
	v14 =	vld [tilespmem:s25+$0x460];
	v15 =	vand.u32 $0x7F, v15;
	[tilespmem:s29+$0x1C40] =	vst v9;
	v10 =	vadd.s32 v4, v10  }
0xd8: {  	s24 =	sor.u32 s24, s28;
	v13 =	vld [tilespmem:s25+$0x450];
	v8 =	vor.u32 v15, v10;
	[tilespmem:s29+$0x1C50] =	vst v12  }
0xd9: {  	v8 =	vor.u32 v2, v8;
	v16 =	vld [tilespmem:s24+$0x18000];
	_ =	sdelay $0x2  }
0xda: {  	v11 =	vld [tilespmem:s25+$0x470]  }
0xdb: {  	v14 =	vmul.f32 $1.250000000e+00, v14;
	v10 =	vmul.f32 $1.250000000e+00, v13;
	v13 =	vld [tilespmem:s25+$0x820]  }
0xdc: {  	v12 =	vld [tilespmem:s25+$0x810];
	[tilespmem:v8+s3+$0x0] =	vst.idx.msk $0xffff, v1;
	v17 =	vshll.u32 v16, $0x3  }
0xdd: {  	v6 =	vand.u32 $0x1E000, v6;
	[tilespmem:s25+$0x460] =	vst v14;
	v18 =	vld [tilespmem:s22+$0x60];
	v14 =	vand.u32 $0xFFFFFC00, v17  }
0xde: {  	v8 =	vand.u32 $0x7F, v16;
	v14 =	vadd.s32 v6, v14  }
0xdf: {  	v11 =	vmul.f32 $1.250000000e+00, v11;
	v8 =	vor.u32 v8, v14  }
0xe0: {  	v9 =	vld [tilespmem:s25+$0x800];
	v8 =	vor.u32 v3, v8  }
0xe1: {  	v15 =	vld [tilespmem:s25+$0x830];
	[tilespmem:s25+$0x470] =	vst v11;
	v11 =	vmul.f32 $1.250000000e+00, v12;
	v12 =	vmul.f32 $1.250000000e+00, v13  }
0xe2: {  	[tilespmem:s25+$0x450] =	vst v10;
	v13 =	vshll.u32 v18, $0x3  }
0xe3: {  	v10 =	vld [tilespmem:s25+$0x840];
	[tilespmem:s25+$0x820] =	vst v12;
	v12 =	vand.u32 $0xFFFFFC00, v13  }
0xe4: {  	v13 =	vand.u32 $0x7F, v18;
	v12 =	vadd.s32 v4, v12  }
0xe5: {  	s24 =	sadd.s32 $0x18000, s24;
	v9 =	vmul.f32 $1.250000000e+00, v9;
	v16 =	vld [tilespmem:s25+$0x860];
	v12 =	vor.u32 v13, v12;
	[tilespmem:v8+s3+$0x0] =	vst.idx.msk $0xffff, v1  }
0xe6: {  	v14 =	vmul.f32 $1.250000000e+00, v15;
	v12 =	vor.u32 v2, v12;
	v15 =	vld [tilespmem:s24+$0x10]  }
0xe7: {  	[tilespmem:s25+$0x800] =	vst v9;
	v9 =	vld [tilespmem:s25+$0x870]  }
0xe8: {  	v10 =	vmul.f32 $1.250000000e+00, v10;
	_ =	sdelay $0x1  }
0xe9: {  	v17 =	vld [tilespmem:s25+$0x850];
	[tilespmem:s25+$0x840] =	vst v10;
	v10 =	vmul.f32 $1.250000000e+00, v16  }
0xea: {  	v13 =	vld [tilespmem:s25+$0xC20];
	[tilespmem:v12+s3+$0x0] =	vst.idx.msk $0xffff, v1;
	v16 =	vshll.u32 v15, $0x3  }
0xeb: {  	v9 =	vmul.f32 $1.250000000e+00, v9;
	[tilespmem:s25+$0x860] =	vst v10;
	v10 =	vand.u32 $0xFFFFFC00, v16;
	v16 =	vld [tilespmem:s22+$0x70]  }
0xec: {  	[tilespmem:s25+$0x810] =	vst v11;
	v15 =	vand.u32 $0x7F, v15;
	v10 =	vadd.s32 v6, v10  }
0xed: {  	[tilespmem:s25+$0x870] =	vst v9;
	v9 =	vor.u32 v15, v10  }
0xee: {  	v11 =	vld [tilespmem:s25+$0xC00];
	[tilespmem:s25+$0x830] =	vst v14;
	v14 =	vmul.f32 $1.250000000e+00, v17;
	v9 =	vor.u32 v3, v9  }
0xef: {  	v8 =	vld [tilespmem:s25+$0xC10];
	v13 =	vmul.f32 $1.250000000e+00, v13  }
0xf0: {  	[tilespmem:s25+$0x850] =	vst v14;
	v15 =	vshll.u32 v16, $0x3  }
0xf1: {  	v14 =	vld [tilespmem:s25+$0xC40];
	[tilespmem:s25+$0xC20] =	vst v13;
	v13 =	vand.u32 $0xFFFFFC00, v15  }
0xf2: {  	v15 =	vand.u32 $0x7F, v16;
	v13 =	vadd.s32 v4, v13  }
0xf3: {  	v11 =	vmul.f32 $1.250000000e+00, v11;
	v10 =	vld [tilespmem:s25+$0xC60];
	[tilespmem:v9+s3+$0x0] =	vst.idx.msk $0xffff, v1;
	v13 =	vor.u32 v15, v13  }
0xf4: {  	v8 =	vmul.f32 $1.250000000e+00, v8;
	v16 =	vld [tilespmem:s24+$0x20];
	v13 =	vor.u32 v2, v13  }
0xf5: {  	[tilespmem:s25+$0xC00] =	vst v11;
	v11 =	vld [tilespmem:s25+$0xC70]  }
0xf6: {  	v14 =	vmul.f32 $1.250000000e+00, v14;
	[tilespmem:s25+$0xC10] =	vst v8;
	v8 =	vld [tilespmem:s25+$0x1000]  }
0xf7: {  	v17 =	vld [tilespmem:s25+$0xC30]  }
0xf8: {  	[tilespmem:s25+$0xC40] =	vst v14;
	v10 =	vmul.f32 $1.250000000e+00, v10;
	v9 =	vld [tilespmem:s25+$0x1010]  }
0xf9: {  	v12 =	vld [tilespmem:s25+$0xC50];
	v14 =	vshll.u32 v16, $0x3;
	[tilespmem:v13+s3+$0x0] =	vst.idx.msk $0xffff, v1  }
0xfa: {  	v11 =	vmul.f32 $1.250000000e+00, v11;
	[tilespmem:s25+$0xC60] =	vst v10;
	v10 =	vand.u32 $0xFFFFFC00, v14;
	v14 =	vld [tilespmem:s22+$0x400]  }
0xfb: {  	v8 =	vmul.f32 $1.250000000e+00, v8;
	v16 =	vand.u32 $0x7F, v16;
	v10 =	vadd.s32 v6, v10  }
0xfc: {  	[tilespmem:s25+$0xC70] =	vst v11;
	v15 =	vld [tilespmem:s25+$0x1020];
	v10 =	vor.u32 v16, v10  }
0xfd: {  	v11 =	vld [tilespmem:s25+$0x1060];
	[tilespmem:s25+$0x1000] =	vst v8;
	v8 =	vmul.f32 $1.250000000e+00, v9;
	v10 =	vor.u32 v3, v10  }
0xfe: {  	v17 =	vmul.f32 $1.250000000e+00, v17  }
0xff: {  	v12 =	vmul.f32 $1.250000000e+00, v12;
	[tilespmem:s25+$0x1010] =	vst v8;
	v8 =	vshll.u32 v14, $0x3  }
0x100: {  	[tilespmem:s25+$0xC30] =	vst v17;
	v13 =	vld [tilespmem:s25+$0x1050];
	v8 =	vand.u32 $0xFFFFFC00, v8  }
0x101: {  	v17 =	vld [tilespmem:s25+$0x1030];
	[tilespmem:s25+$0xC50] =	vst v12;
	v15 =	vmul.f32 $1.250000000e+00, v15;
	v14 =	vand.u32 $0x7F, v14;
	v8 =	vadd.s32 v4, v8  }
0x102: {  	v11 =	vmul.f32 $1.250000000e+00, v11;
	v12 =	vld [tilespmem:s25+$0x1040];
	[tilespmem:v10+s3+$0x0] =	vst.idx.msk $0xffff, v1;
	v8 =	vor.u32 v14, v8  }
0x103: {  	[tilespmem:s25+$0x1020] =	vst v15;
	v15 =	vld [tilespmem:s24+$0x30];
	v8 =	vor.u32 v2, v8  }
0x104: {  	[tilespmem:s25+$0x1060] =	vst v11;
	v11 =	vld [tilespmem:s25+$0x1450]  }
0x105: {  	v9 =	vld [tilespmem:s25+$0x1070];
	v13 =	vmul.f32 $1.250000000e+00, v13  }
0x106: {  	v16 =	vld [tilespmem:s25+$0x1400]  }
0x107: {  	[tilespmem:s25+$0x1050] =	vst v13;
	v10 =	vld [tilespmem:s25+$0x1410]  }
0x108: {  	v17 =	vmul.f32 $1.250000000e+00, v17;
	v14 =	vld [tilespmem:s25+$0x1420];
	v13 =	vshll.u32 v15, $0x3;
	[tilespmem:v8+s3+$0x0] =	vst.idx.msk $0xffff, v1  }
0x109: {  	v12 =	vmul.f32 $1.250000000e+00, v12;
	v8 =	vand.u32 $0xFFFFFC00, v13;
	v13 =	vld [tilespmem:s22+$0x410]  }
0x10a: {  	[tilespmem:s25+$0x1030] =	vst v17;
	v11 =	vmul.f32 $1.250000000e+00, v11;
	v15 =	vand.u32 $0x7F, v15;
	v8 =	vadd.s32 v6, v8  }
0x10b: {  	[tilespmem:s25+$0x1040] =	vst v12;
	v9 =	vmul.f32 $1.250000000e+00, v9;
	v8 =	vor.u32 v15, v8  }
0x10c: {  	[tilespmem:s25+$0x1450] =	vst v11;
	v16 =	vmul.f32 $1.250000000e+00, v16;
	v8 =	vor.u32 v3, v8  }
0x10d: {  	v17 =	vld [tilespmem:s25+$0x1440];
	[tilespmem:s25+$0x1070] =	vst v9;
	v15 =	vmul.f32 $1.250000000e+00, v10  }
0x10e: {  	v12 =	vld [tilespmem:s25+$0x1430];
	[tilespmem:s25+$0x1400] =	vst v16;
	v14 =	vmul.f32 $1.250000000e+00, v14;
	v18 =	vshll.u32 v13, $0x3  }
0x10f: {  	v11 =	vld [tilespmem:s25+$0x1850];
	[tilespmem:s25+$0x1410] =	vst v15;
	v15 =	vand.u32 $0xFFFFFC00, v18  }
0x110: {  	v9 =	vld [tilespmem:s25+$0x1460];
	[tilespmem:s25+$0x1420] =	vst v14;
	v14 =	vand.u32 $0x7F, v13;
	v15 =	vadd.s32 v4, v15  }
0x111: {  	v16 =	vld [tilespmem:s25+$0x1470];
	[tilespmem:v8+s3+$0x0] =	vst.idx.msk $0xffff, v1;
	v14 =	vor.u32 v14, v15  }
0x112: {  	v8 =	vld [tilespmem:s24+$0x40];
	v18 =	vor.u32 v2, v14  }
0x113: {  	v17 =	vmul.f32 $1.250000000e+00, v17;
	v10 =	vld [tilespmem:s25+$0x1800]  }
0x114: {  	v12 =	vmul.f32 $1.250000000e+00, v12;
	v13 =	vld [tilespmem:s25+$0x1810]  }
0x115: {  	[tilespmem:s25+$0x1440] =	vst v17;
	v15 =	vld [tilespmem:s25+$0x1820]  }
0x116: {  	[tilespmem:s25+$0x1430] =	vst v12;
	v17 =	vmul.f32 $1.250000000e+00, v9;
	v14 =	vld [tilespmem:s25+$0x1830]  }
0x117: {  	s28 =	smov.u32 s26;
	s29 =	simm.s32 $0x180;
	v12 =	vld [tilespmem:s25+$0x1840];
	v16 =	vmul.f32 $1.250000000e+00, v16;
	v9 =	vshll.u32 v8, $0x3;
	[tilespmem:v18+s3+$0x0] =	vst.idx.msk $0xffff, v1  }
.LBB2_3:
0x118: {  	p0 =	sne.s32 s29, $0xF80;
	[tilespmem:s25+$0x1460] =	vst v17;
	v10 =	vmul.f32 $1.250000000e+00, v10;
	v9 =	vand.u32 $0xFFFFFC00, v9;
	v17 =	vld [tilespmem:s22+$0x420]  }
0x119: {  	v13 =	vmul.f32 $1.250000000e+00, v13;
	v8 =	vand.u32 $0x7F, v8;
	[tilespmem:s25+$0x1470] =	vst v16;
	v9 =	vadd.s32 v6, v9  }
0x11a: {  	[tilespmem:s25+$0x1800] =	vst v10;
	v10 =	vmul.f32 $1.250000000e+00, v15;
	v15 =	vld [tilespmem:s25+$0x1860];
	v8 =	vor.u32 v8, v9  }
0x11b: {  	v9 =	vmul.f32 $1.250000000e+00, v14;
	[tilespmem:s25+$0x1810] =	vst v13;
	v13 =	vld [tilespmem:s25+$0x1870];
	v8 =	vor.u32 v3, v8  }
0x11c: {  	[tilespmem:s25+$0x1820] =	vst v10;
	v10 =	vmul.f32 $1.250000000e+00, v12;
	v12 =	vld [tilespmem:s25+$0x1C00]  }
0x11d: {  	[tilespmem:s25+$0x1830] =	vst v9;
	v9 =	vmul.f32 $1.250000000e+00, v11;
	v11 =	vld [tilespmem:s25+$0x1C10];
	v14 =	vshll.u32 v17, $0x3  }
0x11e: {  	[tilespmem:s25+$0x1840] =	vst v10;
	v10 =	vld [tilespmem:s25+$0x1C20];
	v14 =	vand.u32 $0xFFFFFC00, v14  }
0x11f: {  	v16 =	vand.u32 $0x7F, v17;
	[tilespmem:s25+$0x1850] =	vst v9;
	v9 =	vmul.f32 $1.250000000e+00, v15;
	v15 =	vld [tilespmem:s25+$0x1C30];
	v14 =	vadd.s32 v4, v14  }
0x120: {  	v13 =	vmul.f32 $1.250000000e+00, v13;
	v17 =	vld [tilespmem:s25+$0x1C40];
	[tilespmem:v8+s3+$0x0] =	vst.idx.msk $0xffff, v1;
	v8 =	vor.u32 v16, v14  }
0x121: {  	s26 =	sadd.s32 $0x1, s26;
	[tilespmem:s25+$0x1860] =	vst v9;
	v9 =	vmul.f32 $1.250000000e+00, v12;
	v12 =	vld [tilespmem:s24+$0x50];
	v14 =	vor.u32 v2, v8  }
0x122: {  	s30 =	sshll.u32 s26, $0xA;
	[tilespmem:s25+$0x1870] =	vst v13;
	v8 =	vmul.f32 $1.250000000e+00, v11;
	v11 =	vld [tilespmem:s25+$0x1C50]  }
0x123: {  	s31 =	sand.u32 $0x380, s29;
	s30 =	sand.u32 $0x3FFFE000, s30;
	v13 =	vmov s26;
	[tilespmem:s25+$0x1C00] =	vst v9;
	v9 =	vmul.f32 $1.250000000e+00, v10  }
0x124: {  	s0 =	sor.u32 s31, s30;
	v10 =	vshll.u32 v13, $0x7;
	[tilespmem:s25+$0x1C10] =	vst v8  }
0x125: {  	v13 =	vshll.u32 v13, $0xA;
	v8 =	vand.u32 $0x380, v10;
	v16 =	vld [tilespmem:s0+$0x1C58];
	[tilespmem:s25+$0x1C20] =	vst v9;
	v9 =	vmul.f32 $1.250000000e+00, v15  }
0x126: {  	v10 =	vor.u32 v8, v13;
	v15 =	vmul.f32 $1.250000000e+00, v17;
	v17 =	vshll.u32 v12, $0x3;
	[tilespmem:v14+s3+$0x0] =	vst.idx.msk $0xffff, v1  }
0x127: {  	s30 =	sshll.u32 s28, $0x8;
	s28 =	smov.u32 s26;
	v10 =	vor.u32 v0, v10;
	[tilespmem:s25+$0x1C30] =	vst v9;
	v9 =	vmul.f32 $1.250000000e+00, v11;
	v11 =	vand.u32 $0xFFFFFC00, v17;
	v14 =	vld [tilespmem:s22+$0x430]  }
0x128: {  	s30 =	sand.u32 $0x3FFFF800, s30;
	v12 =	vand.u32 $0x7F, v12;
	[tilespmem:s25+$0x1C40] =	vst v15;
	v11 =	vadd.s32 v6, v11  }
0x129: {  	s30 =	sor.u32 s23, s30;
	s23 =	smov.u32 s31;
	[tilespmem:s25+$0x1C50] =	vst v9;
	v9 =	vor.u32 v12, v11;
	s25 =	smov.u32 s0  }
0x12a: {  	v11 =	vmul.f32 $1.250000000e+00, v16;
	v12 =	vld [tilespmem:s30+$0x18000];
	v9 =	vor.u32 v3, v9;
	_ =	sdelay $0x1  }
0x12b: {  	[tilespmem:v10+s3+$0x0] =	vst.idx.msk vm0, v11;
	v10 =	vshll.u32 v14, $0x3  }
0x12c: {  	v11 =	vld [tilespmem:s25+$0x0];
	v10 =	vand.u32 $0xFFFFFC00, v10  }
0x12d: {  	v14 =	vand.u32 $0x7F, v14;
	v15 =	vld [tilespmem:s25+$0x10];
	v10 =	vadd.s32 v4, v10  }
0x12e: {  	v16 =	vld [tilespmem:s25+$0x20];
	v17 =	vshll.u32 v12, $0x3;
	[tilespmem:v9+s3+$0x0] =	vst.idx.msk $0xffff, v1;
	v9 =	vor.u32 v14, v10  }
0x12f: {  	v10 =	vand.u32 $0x1E000, v7;
	v7 =	vmovc v13;
	v14 =	vand.u32 $0xFFFFFC00, v17;
	v17 =	vld [tilespmem:s24+$0x60];
	v9 =	vor.u32 v2, v9  }
0x130: {  	v12 =	vand.u32 $0x7F, v12;
	v13 =	vld [tilespmem:s25+$0x30];
	v14 =	vadd.s32 v10, v14  }
0x131: {  	v11 =	vmul.f32 $1.250000000e+00, v11;
	v18 =	vld [tilespmem:s25+$0x40];
	v12 =	vor.u32 v12, v14  }
0x132: {  	v14 =	vld [tilespmem:s25+$0x50];
	v12 =	vor.u32 v5, v12  }
0x133: {  	[tilespmem:s25+$0x0] =	vst v11;
	v11 =	vmul.f32 $1.250000000e+00, v15;
	v15 =	vld [tilespmem:s25+$0x60]  }
0x134: {  	v16 =	vmul.f32 $1.250000000e+00, v16;
	v19 =	vld [tilespmem:s25+$0x70];
	v20 =	vshll.u32 v17, $0x3;
	[tilespmem:v9+s3+$0x0] =	vst.idx.msk $0xffff, v1  }
0x135: {  	[tilespmem:s25+$0x10] =	vst v11;
	v9 =	vand.u32 $0xFFFFFC00, v20;
	v11 =	vld [tilespmem:s22+$0x438];
	s22 =	smov.u32 s24  }
0x136: {  	v17 =	vand.u32 $0x7F, v17;
	v13 =	vmul.f32 $1.250000000e+00, v13;
	[tilespmem:s25+$0x20] =	vst v16;
	v16 =	vld [tilespmem:s25+$0x400];
	v9 =	vadd.s32 v6, v9  }
0x137: {  	s24 =	sadd.s32 $0x18000, s30;
	v18 =	vmul.f32 $1.250000000e+00, v18;
	v20 =	vld [tilespmem:s25+$0x410];
	[tilespmem:v12+s3+$0x0] =	vst.idx.msk $0xffff, v1;
	v9 =	vor.u32 v17, v9  }
0x138: {  	v12 =	vmul.f32 $1.250000000e+00, v14;
	[tilespmem:s25+$0x30] =	vst v13;
	v13 =	vld [tilespmem:s24+$0x10];
	v9 =	vor.u32 v3, v9  }
0x139: {  	v14 =	vmul.f32 $1.250000000e+00, v15;
	[tilespmem:s25+$0x40] =	vst v18;
	v15 =	vld [tilespmem:s25+$0x420]  }
0x13a: {  	[tilespmem:s25+$0x50] =	vst v12;
	v12 =	vmul.f32 $1.250000000e+00, v19;
	v17 =	vld [tilespmem:s25+$0x430];
	v18 =	vshll.u32 v11, $0x3  }
0x13b: {  	[tilespmem:s25+$0x60] =	vst v14;
	v14 =	vld [tilespmem:s25+$0x440];
	v18 =	vand.u32 $0xFFFFFC00, v18  }
0x13c: {  	v11 =	vand.u32 $0x7F, v11;
	[tilespmem:s25+$0x70] =	vst v12;
	v12 =	vmul.f32 $1.250000000e+00, v16;
	v16 =	vld [tilespmem:s25+$0x450];
	v18 =	vadd.s32 v4, v18;
	v4 =	vmovc v6;
	v6 =	vmovc v10  }
0x13d: {  	v10 =	vmul.f32 $1.250000000e+00, v20;
	v19 =	vld [tilespmem:s25+$0x460];
	v20 =	vshll.u32 v13, $0x3;
	[tilespmem:v9+s3+$0x0] =	vst.idx.msk $0xffff, v1;
	v9 =	vor.u32 v11, v18  }
0x13e: {  	[tilespmem:s25+$0x400] =	vst v12;
	v11 =	vmul.f32 $1.250000000e+00, v15;
	v12 =	vand.u32 $0xFFFFFC00, v20;
	v15 =	vld [tilespmem:s22+$0x70];
	v9 =	vor.u32 v2, v9;
	v2 =	vmovc v3;
	v3 =	vmovc v5  }
0x13f: {  	v13 =	vand.u32 $0x7F, v13;
	v5 =	vmovc v8;
	[tilespmem:s25+$0x410] =	vst v10;
	v10 =	vmul.f32 $1.250000000e+00, v17;
	v17 =	vld [tilespmem:s25+$0x470];
	v12 =	vadd.s32 v6, v12  }
0x140: {  	[tilespmem:s25+$0x420] =	vst v11;
	v8 =	vmul.f32 $1.250000000e+00, v14;
	v11 =	vld [tilespmem:s25+$0x800];
	v12 =	vor.u32 v13, v12  }
0x141: {  	[tilespmem:s25+$0x430] =	vst v10;
	v10 =	vld [tilespmem:s25+$0x810];
	v12 =	vor.u32 v3, v12  }
0x142: {  	[tilespmem:s25+$0x440] =	vst v8;
	v8 =	vmul.f32 $1.250000000e+00, v16;
	v13 =	vld [tilespmem:s25+$0x820]  }
0x143: {  	v14 =	vmul.f32 $1.250000000e+00, v19;
	v16 =	vld [tilespmem:s25+$0x830];
	v18 =	vshll.u32 v15, $0x3;
	[tilespmem:v9+s3+$0x0] =	vst.idx.msk $0xffff, v1  }
0x144: {  	[tilespmem:s25+$0x450] =	vst v8;
	v8 =	vld [tilespmem:s25+$0x840];
	v9 =	vand.u32 $0xFFFFFC00, v18  }
0x145: {  	v15 =	vand.u32 $0x7F, v15;
	[tilespmem:s25+$0x460] =	vst v14;
	v14 =	vmul.f32 $1.250000000e+00, v17;
	v17 =	vld [tilespmem:s25+$0x850];
	v9 =	vadd.s32 v4, v9  }
0x146: {  	v11 =	vmul.f32 $1.250000000e+00, v11;
	v18 =	vld [tilespmem:s25+$0x860];
	[tilespmem:v12+s3+$0x0] =	vst.idx.msk $0xffff, v1;
	v9 =	vor.u32 v15, v9  }
0x147: {  	v10 =	vmul.f32 $1.250000000e+00, v10;
	[tilespmem:s25+$0x470] =	vst v14;
	v12 =	vld [tilespmem:s24+$0x20];
	v9 =	vor.u32 v2, v9  }
0x148: {  	[tilespmem:s25+$0x800] =	vst v11;
	v11 =	vmul.f32 $1.250000000e+00, v13;
	v13 =	vld [tilespmem:s25+$0x870]  }
0x149: {  	[tilespmem:s25+$0x810] =	vst v10;
	v10 =	vmul.f32 $1.250000000e+00, v16;
	v14 =	vld [tilespmem:s25+$0xC00]  }
0x14a: {  	[tilespmem:s25+$0x820] =	vst v11;
	v11 =	vld [tilespmem:s25+$0xC10]  }
0x14b: {  	v8 =	vmul.f32 $1.250000000e+00, v8;
	[tilespmem:s25+$0x830] =	vst v10;
	v10 =	vld [tilespmem:s25+$0xC20]  }
0x14c: {  	v15 =	vmul.f32 $1.250000000e+00, v17;
	v16 =	vld [tilespmem:s25+$0xC30];
	v17 =	vshll.u32 v12, $0x3;
	[tilespmem:v9+s3+$0x0] =	vst.idx.msk $0xffff, v1  }
0x14d: {  	[tilespmem:s25+$0x840] =	vst v8;
	v8 =	vmul.f32 $1.250000000e+00, v18;
	v9 =	vand.u32 $0xFFFFFC00, v17;
	v17 =	vld [tilespmem:s22+$0x400]  }
0x14e: {  	v12 =	vand.u32 $0x7F, v12;
	v13 =	vmul.f32 $1.250000000e+00, v13;
	[tilespmem:s25+$0x850] =	vst v15;
	v15 =	vld [tilespmem:s25+$0xC40];
	v9 =	vadd.s32 v6, v9  }
0x14f: {  	[tilespmem:s25+$0x860] =	vst v8;
	v8 =	vmul.f32 $1.250000000e+00, v14;
	v14 =	vld [tilespmem:s25+$0xC50];
	v9 =	vor.u32 v12, v9  }
0x150: {  	v11 =	vmul.f32 $1.250000000e+00, v11;
	[tilespmem:s25+$0x870] =	vst v13;
	v12 =	vld [tilespmem:s25+$0xC60];
	v9 =	vor.u32 v3, v9  }
0x151: {  	[tilespmem:s25+$0xC00] =	vst v8;
	v8 =	vmul.f32 $1.250000000e+00, v10;
	v10 =	vld [tilespmem:s25+$0xC70]  }
0x152: {  	[tilespmem:s25+$0xC10] =	vst v11;
	v11 =	vmul.f32 $1.250000000e+00, v16;
	v13 =	vld [tilespmem:s25+$0x1000];
	v16 =	vshll.u32 v17, $0x3  }
0x153: {  	[tilespmem:s25+$0xC20] =	vst v8;
	v8 =	vld [tilespmem:s25+$0x1010];
	v16 =	vand.u32 $0xFFFFFC00, v16  }
0x154: {  	v17 =	vand.u32 $0x7F, v17;
	[tilespmem:s25+$0xC30] =	vst v11;
	v11 =	vmul.f32 $1.250000000e+00, v15;
	v15 =	vld [tilespmem:s25+$0x1020];
	v16 =	vadd.s32 v4, v16  }
0x155: {  	v14 =	vmul.f32 $1.250000000e+00, v14;
	v18 =	vld [tilespmem:s25+$0x1030];
	[tilespmem:v9+s3+$0x0] =	vst.idx.msk $0xffff, v1;
	v9 =	vor.u32 v17, v16  }
0x156: {  	[tilespmem:s25+$0xC40] =	vst v11;
	v11 =	vmul.f32 $1.250000000e+00, v12;
	v12 =	vld [tilespmem:s24+$0x30];
	v9 =	vor.u32 v2, v9  }
0x157: {  	v10 =	vmul.f32 $1.250000000e+00, v10;
	[tilespmem:s25+$0xC50] =	vst v14;
	v14 =	vld [tilespmem:s25+$0x1040]  }
0x158: {  	[tilespmem:s25+$0xC60] =	vst v11;
	v11 =	vmul.f32 $1.250000000e+00, v13;
	v13 =	vld [tilespmem:s25+$0x1050]  }
0x159: {  	[tilespmem:s25+$0xC70] =	vst v10;
	v10 =	vld [tilespmem:s25+$0x1060]  }
0x15a: {  	v8 =	vmul.f32 $1.250000000e+00, v8;
	[tilespmem:s25+$0x1000] =	vst v11;
	v11 =	vld [tilespmem:s25+$0x1070]  }
0x15b: {  	v15 =	vmul.f32 $1.250000000e+00, v15;
	v16 =	vld [tilespmem:s25+$0x1400];
	v17 =	vshll.u32 v12, $0x3;
	[tilespmem:v9+s3+$0x0] =	vst.idx.msk $0xffff, v1  }
0x15c: {  	[tilespmem:s25+$0x1010] =	vst v8;
	v8 =	vmul.f32 $1.250000000e+00, v18;
	v9 =	vand.u32 $0xFFFFFC00, v17;
	v17 =	vld [tilespmem:s22+$0x410]  }
0x15d: {  	v12 =	vand.u32 $0x7F, v12;
	v14 =	vmul.f32 $1.250000000e+00, v14;
	[tilespmem:s25+$0x1020] =	vst v15;
	v15 =	vld [tilespmem:s25+$0x1410];
	v9 =	vadd.s32 v6, v9  }
0x15e: {  	[tilespmem:s25+$0x1030] =	vst v8;
	v8 =	vmul.f32 $1.250000000e+00, v13;
	v13 =	vld [tilespmem:s25+$0x1420];
	v9 =	vor.u32 v12, v9  }
0x15f: {  	v10 =	vmul.f32 $1.250000000e+00, v10;
	[tilespmem:s25+$0x1040] =	vst v14;
	v12 =	vld [tilespmem:s25+$0x1430];
	v9 =	vor.u32 v3, v9  }
0x160: {  	[tilespmem:s25+$0x1050] =	vst v8;
	v8 =	vmul.f32 $1.250000000e+00, v11;
	v11 =	vld [tilespmem:s25+$0x1440]  }
0x161: {  	[tilespmem:s25+$0x1060] =	vst v10;
	v10 =	vmul.f32 $1.250000000e+00, v16;
	v14 =	vld [tilespmem:s25+$0x1450];
	v16 =	vshll.u32 v17, $0x3  }
0x162: {  	[tilespmem:s25+$0x1070] =	vst v8;
	v18 =	vld [tilespmem:s25+$0x1460];
	v8 =	vand.u32 $0xFFFFFC00, v16  }
0x163: {  	v17 =	vand.u32 $0x7F, v17;
	v15 =	vmul.f32 $1.250000000e+00, v15;
	[tilespmem:s25+$0x1400] =	vst v10;
	v16 =	vld [tilespmem:s25+$0x1470];
	v8 =	vadd.s32 v4, v8  }
0x164: {  	v13 =	vmul.f32 $1.250000000e+00, v13;
	v10 =	vld [tilespmem:s25+$0x1800];
	[tilespmem:v9+s3+$0x0] =	vst.idx.msk $0xffff, v1;
	v9 =	vor.u32 v17, v8  }
0x165: {  	v12 =	vmul.f32 $1.250000000e+00, v12;
	[tilespmem:s25+$0x1410] =	vst v15;
	v8 =	vld [tilespmem:s24+$0x40];
	v19 =	vor.u32 v2, v9  }
.Ltmp0:
0x166: {  	v9 =	vmul.f32 $1.250000000e+00, v11;
	[tilespmem:s25+$0x1420] =	vst v13;
	v13 =	vld [tilespmem:s25+$0x1810];
	(pc) =	sbr.rel @p0 .LBB2_3-.Ltmp0, $4  }
0x167: {  	v11 =	vmul.f32 $1.250000000e+00, v14;
	[tilespmem:s25+$0x1430] =	vst v12;
	v15 =	vld [tilespmem:s25+$0x1820]  }
0x168: {  	[tilespmem:s25+$0x1440] =	vst v9;
	v14 =	vld [tilespmem:s25+$0x1830]  }
0x169: {  	v17 =	vmul.f32 $1.250000000e+00, v18;
	[tilespmem:s25+$0x1450] =	vst v11;
	v12 =	vld [tilespmem:s25+$0x1840]  }
0x16a: {  	s29 =	sadd.s32 $0x80, s29;
	v16 =	vmul.f32 $1.250000000e+00, v16;
	v11 =	vld [tilespmem:s25+$0x1850];
	v9 =	vshll.u32 v8, $0x3;
	[tilespmem:v19+s3+$0x0] =	vst.idx.msk $0xffff, v1  }
0x16b: {  	[tilespmem:s25+$0x1460] =	vst v17;
	v10 =	vmul.f32 $1.250000000e+00, v10  }
0x16c: {  	v13 =	vmul.f32 $1.250000000e+00, v13;
	v57 =	vld [tilespmem:s25+$0x1860];
	[tilespmem:s25+$0x1470] =	vst v16  }
0x16d: {  	v58 =	vld [tilespmem:s25+$0x1870];
	v15 =	vmul.f32 $1.250000000e+00, v15;
	[tilespmem:s25+$0x1800] =	vst v10  }
0x16e: {  	v59 =	vld [tilespmem:s25+$0x1C00];
	[tilespmem:s25+$0x1810] =	vst v13;
	v14 =	vmul.f32 $1.250000000e+00, v14  }
0x16f: {  	v60 =	vld [tilespmem:s25+$0x1C10];
	[tilespmem:s25+$0x1820] =	vst v15;
	v12 =	vmul.f32 $1.250000000e+00, v12  }
0x170: {  	v61 =	vld [tilespmem:s25+$0x1C20];
	[tilespmem:s25+$0x1830] =	vst v14;
	v11 =	vmul.f32 $1.250000000e+00, v11  }
0x171: {  	v63 =	vld [tilespmem:s25+$0x1C40];
	[tilespmem:s25+$0x1840] =	vst v12;
	v10 =	vmul.f32 $1.250000000e+00, v57  }
0x172: {  	v21 =	vld [tilespmem:s25+$0x1C50];
	v13 =	vmul.f32 $1.250000000e+00, v58;
	[tilespmem:s25+$0x1850] =	vst v11  }
0x173: {  	v62 =	vld [tilespmem:s25+$0x1C30];
	v20 =	vmul.f32 $1.250000000e+00, v59;
	[tilespmem:s25+$0x1860] =	vst v10  }
0x174: {  	v14 =	vmul.f32 $1.250000000e+00, v60;
	[tilespmem:s25+$0x1870] =	vst v13  }
0x175: {  	v22 =	vmul.f32 $1.250000000e+00, v61;
	[tilespmem:s25+$0x1C00] =	vst v20  }
0x176: {  	v23 =	vmul.f32 $1.250000000e+00, v63;
	[tilespmem:s25+$0x1C10] =	vst v14  }
0x177: {  	v24 =	vmul.f32 $1.250000000e+00, v21;
	[tilespmem:s25+$0x1C20] =	vst v22  }
0x178: {  	s0 =	sshll.u32 s28, $0x8;
	v11 =	vmul.f32 $1.250000000e+00, v62;
	[tilespmem:s25+$0x1C40] =	vst v23  }
0x179: {  	s0 =	sand.u32 $0x3FFFF800, s0;
	[tilespmem:s25+$0x1C50] =	vst v24  }
0x17a: {  	s0 =	sor.u32 s23, s0;
	[tilespmem:s25+$0x1C30] =	vst v11  }
0x17b: {  	v10 =	vld [tilespmem:s0+$0x18000];
	_ =	sdelay $0x4  }
0x17c: {  	v25 =	vshll.u32 v10, $0x3  }
0x17d: {  	v7 =	vand.u32 $0x1E000, v7;
	v11 =	vand.u32 $0xFFFFFC00, v25  }
0x17e: {  	v10 =	vand.u32 $0x7F, v10;
	v11 =	vadd.s32 v7, v11  }
0x17f: {  	v10 =	vor.u32 v10, v11  }
0x180: {  	v10 =	vor.u32 v5, v10;
	_ =	sdelay $0x4  }
0x181: {  	s23 =	sadd.s32 $0x18000, s0;
	[tilespmem:v10+s3+$0x0] =	vst.idx.msk $0xffff, v1  }
0x182: {  	v10 =	vld [tilespmem:s23+$0x10];
	_ =	sdelay $0x4  }
0x183: {  	v26 =	vshll.u32 v10, $0x3  }
0x184: {  	v11 =	vand.u32 $0xFFFFFC00, v26  }
0x185: {  	v10 =	vand.u32 $0x7F, v10;
	v11 =	vadd.s32 v7, v11  }
0x186: {  	v10 =	vor.u32 v10, v11  }
0x187: {  	v10 =	vor.u32 v5, v10;
	_ =	sdelay $0x4  }
0x188: {  	[tilespmem:v10+s3+$0x0] =	vst.idx.msk $0xffff, v1  }
0x189: {  	v10 =	vld [tilespmem:s23+$0x20];
	_ =	sdelay $0x4  }
0x18a: {  	v27 =	vshll.u32 v10, $0x3  }
0x18b: {  	v11 =	vand.u32 $0xFFFFFC00, v27  }
0x18c: {  	v10 =	vand.u32 $0x7F, v10;
	v11 =	vadd.s32 v7, v11  }
0x18d: {  	v10 =	vor.u32 v10, v11  }
0x18e: {  	v10 =	vor.u32 v5, v10;
	_ =	sdelay $0x4  }
0x18f: {  	[tilespmem:v10+s3+$0x0] =	vst.idx.msk $0xffff, v1  }
0x190: {  	v10 =	vld [tilespmem:s23+$0x30];
	_ =	sdelay $0x4  }
0x191: {  	v28 =	vshll.u32 v10, $0x3  }
0x192: {  	v11 =	vand.u32 $0xFFFFFC00, v28  }
0x193: {  	v10 =	vand.u32 $0x7F, v10;
	v11 =	vadd.s32 v7, v11  }
0x194: {  	v10 =	vor.u32 v10, v11  }
0x195: {  	v10 =	vor.u32 v5, v10;
	_ =	sdelay $0x4  }
0x196: {  	[tilespmem:v10+s3+$0x0] =	vst.idx.msk $0xffff, v1  }
0x197: {  	v10 =	vld [tilespmem:s23+$0x40];
	_ =	sdelay $0x4  }
0x198: {  	v9 =	vand.u32 $0xFFFFFC00, v9;
	v29 =	vshll.u32 v10, $0x3  }
0x199: {  	v8 =	vand.u32 $0x7F, v8;
	v9 =	vadd.s32 v6, v9;
	v11 =	vand.u32 $0xFFFFFC00, v29  }
0x19a: {  	v8 =	vor.u32 v8, v9;
	v30 =	vand.u32 $0x7F, v10;
	v31 =	vadd.s32 v7, v11  }
0x19b: {  	v8 =	vor.u32 v3, v8;
	v9 =	vor.u32 v30, v31  }
0x19c: {  	v9 =	vor.u32 v5, v9;
	_ =	sdelay $0x3  }
0x19d: {  	[tilespmem:v8+s3+$0x0] =	vst.idx.msk $0xffff, v1  }
0x19e: {  	v8 =	vld [tilespmem:s24+$0x50];
	[tilespmem:v9+s3+$0x0] =	vst.idx.msk $0xffff, v1  }
0x19f: {  	v9 =	vld [tilespmem:s23+$0x50];
	_ =	sdelay $0x3  }
0x1a0: {  	v32 =	vshll.u32 v8, $0x3  }
0x1a1: {  	v10 =	vand.u32 $0xFFFFFC00, v32;
	v33 =	vshll.u32 v9, $0x3  }
0x1a2: {  	v8 =	vand.u32 $0x7F, v8;
	v10 =	vadd.s32 v6, v10;
	v11 =	vand.u32 $0xFFFFFC00, v33  }
0x1a3: {  	v8 =	vor.u32 v8, v10;
	v9 =	vand.u32 $0x7F, v9;
	v34 =	vadd.s32 v7, v11  }
0x1a4: {  	v8 =	vor.u32 v3, v8;
	v9 =	vor.u32 v9, v34  }
0x1a5: {  	v9 =	vor.u32 v5, v9;
	_ =	sdelay $0x3  }
0x1a6: {  	[tilespmem:v8+s3+$0x0] =	vst.idx.msk $0xffff, v1  }
0x1a7: {  	v8 =	vld [tilespmem:s24+$0x60];
	[tilespmem:v9+s3+$0x0] =	vst.idx.msk $0xffff, v1  }
0x1a8: {  	v9 =	vld [tilespmem:s23+$0x60];
	_ =	sdelay $0x3  }
0x1a9: {  	v35 =	vshll.u32 v8, $0x3  }
0x1aa: {  	v10 =	vand.u32 $0xFFFFFC00, v35;
	v36 =	vshll.u32 v9, $0x3  }
0x1ab: {  	v8 =	vand.u32 $0x7F, v8;
	v10 =	vadd.s32 v6, v10;
	v11 =	vand.u32 $0xFFFFFC00, v36  }
0x1ac: {  	v8 =	vor.u32 v8, v10;
	v9 =	vand.u32 $0x7F, v9;
	v37 =	vadd.s32 v7, v11  }
0x1ad: {  	v8 =	vor.u32 v3, v8;
	v9 =	vor.u32 v9, v37  }
0x1ae: {  	v9 =	vor.u32 v5, v9;
	_ =	sdelay $0x3  }
0x1af: {  	[tilespmem:v8+s3+$0x0] =	vst.idx.msk $0xffff, v1  }
0x1b0: {  	v8 =	vld [tilespmem:s24+$0x70];
	[tilespmem:v9+s3+$0x0] =	vst.idx.msk $0xffff, v1  }
0x1b1: {  	v9 =	vld [tilespmem:s23+$0x70];
	_ =	sdelay $0x3  }
0x1b2: {  	v38 =	vshll.u32 v8, $0x3  }
0x1b3: {  	v10 =	vand.u32 $0xFFFFFC00, v38;
	v39 =	vshll.u32 v9, $0x3  }
0x1b4: {  	v8 =	vand.u32 $0x7F, v8;
	v10 =	vadd.s32 v6, v10;
	v11 =	vand.u32 $0xFFFFFC00, v39  }
0x1b5: {  	v8 =	vor.u32 v8, v10;
	v9 =	vand.u32 $0x7F, v9;
	v40 =	vadd.s32 v7, v11  }
0x1b6: {  	v8 =	vor.u32 v3, v8;
	v9 =	vor.u32 v9, v40  }
0x1b7: {  	v9 =	vor.u32 v5, v9;
	_ =	sdelay $0x3  }
0x1b8: {  	[tilespmem:v8+s3+$0x0] =	vst.idx.msk $0xffff, v1  }
0x1b9: {  	v8 =	vld [tilespmem:s24+$0x400];
	[tilespmem:v9+s3+$0x0] =	vst.idx.msk $0xffff, v1  }
0x1ba: {  	v9 =	vld [tilespmem:s23+$0x400];
	_ =	sdelay $0x3  }
0x1bb: {  	v41 =	vshll.u32 v8, $0x3  }
0x1bc: {  	v10 =	vand.u32 $0xFFFFFC00, v41;
	v42 =	vshll.u32 v9, $0x3  }
0x1bd: {  	v8 =	vand.u32 $0x7F, v8;
	v10 =	vadd.s32 v6, v10;
	v11 =	vand.u32 $0xFFFFFC00, v42  }
0x1be: {  	v8 =	vor.u32 v8, v10;
	v9 =	vand.u32 $0x7F, v9;
	v43 =	vadd.s32 v7, v11  }
0x1bf: {  	v8 =	vor.u32 v3, v8;
	v9 =	vor.u32 v9, v43  }
0x1c0: {  	v9 =	vor.u32 v5, v9;
	_ =	sdelay $0x3  }
0x1c1: {  	[tilespmem:v8+s3+$0x0] =	vst.idx.msk $0xffff, v1  }
0x1c2: {  	v8 =	vld [tilespmem:s24+$0x410];
	[tilespmem:v9+s3+$0x0] =	vst.idx.msk $0xffff, v1  }
0x1c3: {  	v9 =	vld [tilespmem:s23+$0x410];
	_ =	sdelay $0x3  }
0x1c4: {  	v44 =	vshll.u32 v8, $0x3  }
0x1c5: {  	v10 =	vand.u32 $0xFFFFFC00, v44;
	v45 =	vshll.u32 v9, $0x3  }
0x1c6: {  	v8 =	vand.u32 $0x7F, v8;
	v10 =	vadd.s32 v6, v10;
	v11 =	vand.u32 $0xFFFFFC00, v45  }
0x1c7: {  	v8 =	vor.u32 v8, v10;
	v9 =	vand.u32 $0x7F, v9;
	v46 =	vadd.s32 v7, v11  }
0x1c8: {  	v8 =	vor.u32 v3, v8;
	v9 =	vor.u32 v9, v46  }
0x1c9: {  	v9 =	vor.u32 v5, v9;
	_ =	sdelay $0x2  }
0x1ca: {  	v47 =	vld [tilespmem:s22+$0x420]  }
0x1cb: {  	[tilespmem:v8+s3+$0x0] =	vst.idx.msk $0xffff, v1  }
0x1cc: {  	v8 =	vld [tilespmem:s24+$0x420];
	[tilespmem:v9+s3+$0x0] =	vst.idx.msk $0xffff, v1  }
0x1cd: {  	v9 =	vld [tilespmem:s23+$0x420];
	_ =	sdelay $0x1  }
0x1ce: {  	v48 =	vshll.u32 v47, $0x3  }
0x1cf: {  	v10 =	vand.u32 $0x7F, v47;
	v11 =	vand.u32 $0xFFFFFC00, v48  }
0x1d0: {  	v49 =	vshll.u32 v8, $0x3;
	v8 =	vand.u32 $0x7F, v8;
	v11 =	vadd.s32 v4, v11  }
0x1d1: {  	v10 =	vor.u32 v10, v11;
	v11 =	vand.u32 $0xFFFFFC00, v49;
	v50 =	vshll.u32 v9, $0x3  }
0x1d2: {  	v10 =	vor.u32 v2, v10;
	v11 =	vadd.s32 v6, v11;
	v12 =	vand.u32 $0xFFFFFC00, v50  }
0x1d3: {  	v8 =	vor.u32 v8, v11;
	v9 =	vand.u32 $0x7F, v9;
	v51 =	vadd.s32 v7, v12  }
0x1d4: {  	v8 =	vor.u32 v3, v8;
	v9 =	vor.u32 v9, v51  }
0x1d5: {  	v9 =	vor.u32 v5, v9;
	_ =	sdelay $0x1  }
0x1d6: {  	[tilespmem:v10+s3+$0x0] =	vst.idx.msk $0xffff, v1  }
0x1d7: {  	v10 =	vld [tilespmem:s22+$0x430]  }
0x1d8: {  	[tilespmem:v8+s3+$0x0] =	vst.idx.msk $0xffff, v1  }
0x1d9: {  	v8 =	vld [tilespmem:s24+$0x430];
	[tilespmem:v9+s3+$0x0] =	vst.idx.msk $0xffff, v1  }
0x1da: {  	v9 =	vld [tilespmem:s23+$0x430];
	_ =	sdelay $0x1  }
0x1db: {  	v52 =	vshll.u32 v10, $0x3  }
0x1dc: {  	v10 =	vand.u32 $0x7F, v10;
	v11 =	vand.u32 $0xFFFFFC00, v52  }
0x1dd: {  	v11 =	vadd.s32 v4, v11;
	v53 =	vshll.u32 v8, $0x3;
	v8 =	vand.u32 $0x7F, v8  }
0x1de: {  	v10 =	vor.u32 v10, v11;
	v11 =	vand.u32 $0xFFFFFC00, v53;
	v54 =	vshll.u32 v9, $0x3  }
0x1df: {  	v10 =	vor.u32 v2, v10;
	v11 =	vadd.s32 v6, v11;
	v12 =	vand.u32 $0xFFFFFC00, v54  }
0x1e0: {  	v8 =	vor.u32 v8, v11;
	v9 =	vand.u32 $0x7F, v9;
	v55 =	vadd.s32 v7, v12  }
0x1e1: {  	v8 =	vor.u32 v3, v8;
	v9 =	vor.u32 v9, v55  }
0x1e2: {  	v9 =	vor.u32 v5, v9;
	_ =	sdelay $0x1  }
0x1e3: {  	[tilespmem:v10+s3+$0x0] =	vst.idx.msk $0xffff, v1  }
0x1e4: {  	v10 =	vld [tilespmem:s22+$0x438]  }
0x1e5: {  	[tilespmem:v8+s3+$0x0] =	vst.idx.msk $0xffff, v1  }
0x1e6: {  	v8 =	vld [tilespmem:s24+$0x438];
	[tilespmem:v9+s3+$0x0] =	vst.idx.msk $0xffff, v1  }
0x1e7: {  	v9 =	vld [tilespmem:s23+$0x438];
	_ =	sdelay $0x1  }
0x1e8: {  	v56 =	vshll.u32 v10, $0x3  }
0x1e9: {  	v10 =	vand.u32 $0x7F, v10;
	v11 =	vand.u32 $0xFFFFFC00, v56  }
0x1ea: {  	v57 =	vadd.s32 v4, v11;
	v58 =	vshll.u32 v8, $0x3;
	v8 =	vand.u32 $0x7F, v8  }
0x1eb: {  	v4 =	vor.u32 v10, v57;
	v59 =	vand.u32 $0xFFFFFC00, v58;
	v60 =	vshll.u32 v9, $0x3  }
0x1ec: {  	v2 =	vor.u32 v2, v4;
	v4 =	vadd.s32 v6, v59;
	v61 =	vand.u32 $0xFFFFFC00, v60  }
0x1ed: {  	v4 =	vor.u32 v8, v4;
	v62 =	vand.u32 $0x7F, v9;
	v6 =	vadd.s32 v7, v61  }
0x1ee: {  	v3 =	vor.u32 v3, v4;
	v63 =	vor.u32 v62, v6  }
0x1ef: {  	s29 =	sshll.u32 s20, $0xC;
	s20 =	sadd.s32 $0x1, s20;
	v4 =	vor.u32 v5, v63  }
0x1f0: {  	p0 =	sne.s32 s20, $0x10  }
.Ltmp1:
0x1f1: {  	_ = 	snop;
	(pc) =	sbr.rel @p0 .LBB2_2-.Ltmp1, $4  }
0x1f2: {  	[tilespmem:v2+s3+$0x0] =	vst.idx.msk $0xffff, v1  }
0x1f3: {  	s30 =	sshll.u32 s21, $0xF;
	[tilespmem:v3+s3+$0x0] =	vst.idx.msk $0xffff, v1  }
0x1f4: {  	s31 =	sadd.s32 $0x7, s21;
	s19 =	sadd.s32 $0x20, s19;
	s0 =	sadd.s32 s29, s10;
	[tilespmem:v4+s3+$0x0] =	vst.idx.msk $0xffff, v1  }
0x1f5: {  	[hbm4b:s0+s3] =	stream.linear.scatter [tilespmem:s30], [sflag:s31], $0x8000, $0x38;
	[tilespmem:$0x1E000] =	vst v63  }
0x1f6: {  	_ =	swait.ge [sflag:s15], $0x8000  }
0x1f7: {  	[sflag:s15] =	ssyncset.done $0x0  }
0x1f8: {  	s18 =	sadd.s32 $0x1, s18;
	[sflag:s15] =	ssyncadd.s32 $0xFFFF8000  }
0x1f9: {  	p0 =	sne.s32 s18, s11;
	_ =	swait.ge [sflag:s16], $0x8000  }
.Ltmp2:
0x1fa: {  	[sflag:s16] =	ssyncset.done $0x0;
	(pc) =	sbr.rel @p0 .LBB2_1-.Ltmp2, $4  }
0x1fb: {  	[sflag:s16] =	ssyncadd.s32 $0xFFFF8000  }
0x1fc: {  	_ =	swait.ge [sflag:s17], $0x8000  }
0x1fd: {  	[sflag:s17] =	ssyncset.done $0x0  }
0x1fe: {  	[sflag:s17] =	ssyncadd.s32 $0xFFFF8000  }
0x1ff: {  	_ =	sfence.sel $0x180000  }
0x200: {  	[bflag:$0x0] =	sbarrier.arrive $0xFFFF  }
0x201: {  	_ =	strace $0x90000047  }
0x202: {  	[bflag:$0x2] =	sbarrier.arrive $0xFFFF  }
0x203: {  	p0 =	sne.s32 s1, $0x0;
	s0 =	rddreg [dreg:$0x2]  }
0x204: {  	s0 =	sadd.s32 @!p0 $0x100000, s0  }
0x205: {  	[sflag:s0] =	ssyncadd.tile.s32 @!p0 $0x1;
	_ =	shalt  }
.Lfunc_end2:
_tile_overlayer_lowered:
.L_overlay_start_2:
0x206: {  	(tag) =	ssettag $0x2  }
0x207: {  	s0 =	rddreg [dreg:$0x0];
	s2 =	stileid.u32  }
0x208: {  	s1 =	rddreg [dreg:$0x1];
	p0 =	sne.s32 s2, $0x0  }
0x209: {  	s3 =	rddreg [dreg:$0x2];
	[bflag:$0x3] =	sbarrier.arrive $0xFFFF;
	s2 =	simm.s32 @!p0 $0x1C0A  }
0x20a: {  	[timem:s3], [sflag:s2] =	dma.local @!p0 [hbm:s0], s1  }
0x20b: {  	s0 =	simm.s32 @!p0 $0xA  }
0x20c: {  	_ =	swait.ge @!p0 [sflag:s0], s1  }
0x20d: {  	s1 =	ssub.s32 @!p0 $0x0, s1;
	[sflag:s0] =	ssyncset.done @!p0 $0x0  }
0x20e: {  	[sflag:s0] =	ssyncadd.s32 @!p0 s1  }
0x20f: {  	[bflag:$0x3] =	sbarrier.arrive $0xFFFF  }
0x210: {  	_ =	shalt  }

</sc_bundles>
